<compile_context>
chip_gen: v7x
topology: tpu7x:2x2x1
jax: 0.10.2.dev20260603
libtpu: 0.0.44.dev20260713+nightly
codegen_flags: <defaults>
</compile_context>

<pallas_src>
import functools

import jax
import jax.numpy as jnp
from jax import lax
from jax.experimental import pallas as pl
from jax.experimental.pallas import tpu as pltpu
from jax.experimental.pallas import tpu_sc as plsc

_N = 10000
_NPAD = 10240
_E = 320000
_H = 128
_G = 100
_NPG = 100
_V = 32
_OUT = 6

_LANES = 16
_NTILES = 16
_NCORES = 2


def _deg_hist(dst):
    ept = _E // (_NTILES * _NCORES)
    chunk = 2000
    colw = _NPAD // _NTILES
    mesh = plsc.VectorSubcoreMesh(core_axis_name="c", subcore_axis_name="s")

    @functools.partial(
        pl.kernel,
        out_type=jax.ShapeDtypeStruct((_NCORES, _NPAD), jnp.float32),
        mesh=mesh,
        compiler_params=pltpu.CompilerParams(needs_layout_passes=False),
        scratch_types=[
            pltpu.VMEM((chunk,), jnp.int32),
            pltpu.VMEM((_NPAD,), jnp.float32),
            pltpu.VMEM((colw,), jnp.float32),
            pltpu.VMEM_SHARED((_NTILES, _NPAD), jnp.float32),
        ],
    )
    def run(dst_hbm, hist_hbm, idx_v, hist_v, col_v, slab):
        c = lax.axis_index("c")
        s = lax.axis_index("s")
        zeros16 = jnp.zeros((_LANES,), jnp.float32)
        ones16 = jnp.ones((_LANES,), jnp.float32)

        def zero_hist(i, _):
            hist_v[pl.ds(i * _LANES, _LANES)] = zeros16
            return 0
        lax.fori_loop(0, _NPAD // _LANES, zero_hist, 0)

        base = (c * _NTILES + s) * ept

        def outer(ci, _):
            pltpu.sync_copy(dst_hbm.at[pl.ds(base + ci * chunk, chunk)],
                            idx_v)
            def inner(j, _):
                iv = idx_v[pl.ds(j * _LANES, _LANES)]
                plsc.addupdate_scatter(hist_v, [iv], ones16)
                return 0
            lax.fori_loop(0, chunk // _LANES, inner, 0)
            return 0
        lax.fori_loop(0, ept // chunk, outer, 0)
        pltpu.sync_copy(hist_v, slab.at[s])

        plsc.subcore_barrier()

        def init_col(i, _):
            col_v[pl.ds(i * _LANES, _LANES)] = zeros16
            return 0
        lax.fori_loop(0, colw // _LANES, init_col, 0)

        def add_row(k, _):
            pltpu.sync_copy(slab.at[k, pl.ds(s * colw, colw)],
                            hist_v.at[pl.ds(0, colw)])
            def accum(i, _):
                sl = pl.ds(i * _LANES, _LANES)
                col_v[sl] = col_v[sl] + hist_v[sl]
                return 0
            lax.fori_loop(0, colw // _LANES, accum, 0)
            return 0
        lax.fori_loop(0, _NTILES, add_row, 0)
        pltpu.sync_copy(col_v, hist_hbm.at[c, pl.ds(s * colw, colw)])

    return run(dst)


def _edge_scatter(m_s, src2d, dst2d, zrows):
    k_batch = src2d.shape[2]
    rows_per_tile = src2d.shape[0] // (_NTILES * _NCORES)
    accw = _NPAD // _NTILES
    nbuf = 3
    nouter = -(-(rows_per_tile + 1) // nbuf)
    mesh = plsc.VectorSubcoreMesh(core_axis_name="c", subcore_axis_name="s")

    scratch = [pltpu.VMEM_SHARED((_NPAD, _H), jnp.float32)]
    scratch += [pltpu.VMEM((k_batch, _H), jnp.float32) for _ in range(nbuf)]
    scratch += [pltpu.VMEM((1, k_batch), jnp.int32) for _ in range(2 * nbuf)]
    scratch += [pltpu.SemaphoreType.DMA for _ in range(3 * nbuf)]

    @functools.partial(
        pl.kernel,
        out_type=jax.ShapeDtypeStruct((_NCORES * _NPAD, _H), jnp.float32),
        mesh=mesh,
        compiler_params=pltpu.CompilerParams(needs_layout_passes=False),
        scratch_types=scratch,
    )
    def run(m_hbm, src_hbm, dst_hbm, z_hbm, out_hbm, acc, *rest):
        bufs = rest[:nbuf]
        si = rest[nbuf:2 * nbuf]
        di = rest[2 * nbuf:3 * nbuf]
        isem = rest[3 * nbuf:4 * nbuf]
        gsem = rest[4 * nbuf:5 * nbuf]
        ssem = rest[5 * nbuf:6 * nbuf]
        c = lax.axis_index("c")
        s = lax.axis_index("s")
        pltpu.sync_copy(z_hbm.at[pl.ds(s * accw, accw)],
                        acc.at[pl.ds(s * accw, accw)])
        base = (c * _NTILES + s) * rows_per_tile
        pltpu.async_copy(src_hbm.at[base], si[0], isem[0])
        pltpu.async_copy(dst_hbm.at[base], di[0], isem[0])
        plsc.subcore_barrier()

        def wait_idx(q):
            pltpu.make_async_copy(src_hbm.at[base], si[q],
                                  isem[q]).wait()
            pltpu.make_async_copy(dst_hbm.at[base], di[q],
                                  isem[q]).wait()

        def step(i, _):
            for j in range(nbuf):
                b = i * nbuf + j
                jn = (j + 1) % nbuf
                jp = (j - 1) % nbuf
                @pl.when(b + 1 < rows_per_tile)
                def _():
                    @pl.when(b >= 2)
                    def _():
                        pltpu.make_async_copy(
                            bufs[jn], acc.at[di[jn].at[0]], ssem[jn]).wait()
                    pltpu.async_copy(src_hbm.at[base + b + 1], si[jn],
                                     isem[jn])
                    pltpu.async_copy(dst_hbm.at[base + b + 1], di[jn],
                                     isem[jn])
                @pl.when(b < rows_per_tile)
                def _():
                    wait_idx(j)
                    pltpu.async_copy(m_hbm.at[si[j].at[0]], bufs[j], gsem[j])
                @pl.when(jnp.logical_and(b >= 1, b - 1 < rows_per_tile))
                def _():
                    pltpu.make_async_copy(
                        m_hbm.at[si[jp].at[0]], bufs[jp], gsem[jp]).wait()
                    pltpu.async_copy(bufs[jp], acc.at[di[jp].at[0]], ssem[jp],
                                     add=True)
            return 0
        lax.fori_loop(0, nouter, step, 0)

        for j in range(nbuf):
            pltpu.make_async_copy(bufs[j], acc.at[di[j].at[0]],
                                  ssem[j]).wait()

        plsc.subcore_barrier()
        pltpu.sync_copy(acc.at[pl.ds(s * accw, accw)],
                        out_hbm.at[pl.ds(c * _NPAD + s * accw, accw)])

    return run(m_s, src2d, dst2d, zrows)


def _tc_h2(x_pad, w_emb, b_emb2d, w_gcn):
    rows = 1280

    def body(x_ref, we_ref, be_ref, wg_ref, o_ref):
        h = jnp.dot(x_ref[...], we_ref[...],
                    preferred_element_type=jnp.float32) + be_ref[...]
        o_ref[...] = jnp.dot(h, wg_ref[...],
                             preferred_element_type=jnp.float32)

    return pl.pallas_call(
        body,
        grid=(_NPAD // rows,),
        in_specs=[
            pl.BlockSpec((rows, _H), lambda i: (i, 0)),
            pl.BlockSpec((_H, _H), lambda i: (0, 0)),
            pl.BlockSpec((1, _H), lambda i: (0, 0)),
            pl.BlockSpec((_H, _H), lambda i: (0, 0)),
        ],
        out_specs=pl.BlockSpec((rows, _H), lambda i: (i, 0)),
        out_shape=jax.ShapeDtypeStruct((_NPAD, _H), jnp.float32),
    )(x_pad, w_emb, b_emb2d, w_gcn)


def _tc_scale(h2, hist):
    rows = 5120

    def body(h_ref, hist_ref, o_ref, dv_ref):
        ones2 = jnp.ones((2, 1), jnp.float32)
        deg = lax.dot_general(hist_ref[...], ones2, (((0,), (0,)), ((), ())),
                              preferred_element_type=jnp.float32) + 1.0
        dv = 1.0 / jnp.sqrt(deg)
        o_ref[...] = h_ref[...] * dv
        dv_ref[...] = dv

    return pl.pallas_call(
        body,
        grid=(_NPAD // rows,),
        in_specs=[
            pl.BlockSpec((rows, _H), lambda i: (i, 0)),
            pl.BlockSpec((2, rows), lambda i: (0, i)),
        ],
        out_specs=[pl.BlockSpec((rows, _H), lambda i: (i, 0)),
                   pl.BlockSpec((rows, 1), lambda i: (i, 0))],
        out_shape=[jax.ShapeDtypeStruct((_NPAD, _H), jnp.float32),
                   jax.ShapeDtypeStruct((_NPAD, 1), jnp.float32)],
    )(h2, hist)


_BG = 25


def _tc_head(acc_g, m_g, dinv_g, bg2d, a1w, a1b2d, a2w, a2b2d, v1w, v1b2d,
             v2w, v2b2d, m1w, m1b2d, m2w, m2b2d, ew):
    def body(acc_ref, m_ref, dv_ref, bg_ref, a1_ref, a1b_ref, a2_ref, a2b_ref,
             v1_ref, v1b_ref, v2_ref, v2b_ref, m1_ref, m1b_ref, m2_ref,
             m2b_ref, ew_ref, o_ref):
        rows = _BG * _NPG
        accs = (acc_ref[0].astype(jnp.float32)
                + acc_ref[1].astype(jnp.float32)
                + m_ref[...])
        hg = jnp.maximum(dv_ref[...] * accs
                         + bg_ref[...].reshape(1, 1, _H), 0.0)
        hg2 = hg.reshape(rows, _H)
        t = jnp.maximum(jnp.dot(hg2, a1_ref[...],
                                preferred_element_type=jnp.float32)
                        + a1b_ref[...], 0.0)
        t = jnp.dot(t, a2_ref[...],
                    preferred_element_type=jnp.float32) + a2b_ref[...]
        t3 = t.reshape(_BG, _NPG, _H)
        proto = jnp.mean(t3, axis=1, keepdims=True)
        n1 = jnp.maximum(
            jnp.sqrt(jnp.sum(t3 * t3, axis=2, keepdims=True)), 1e-8)
        n2 = jnp.maximum(
            jnp.sqrt(jnp.sum(proto * proto, axis=2, keepdims=True)), 1e-8)
        sim = jnp.sum(t3 * proto, axis=2, keepdims=True) / (n1 * n2)
        att = (1.0 + sim) * 0.5
        mod = ew_ref[...] * att
        rs = jnp.sum(mod, axis=2, keepdims=True)
        rs = jnp.where(rs == 0.0, 1.0, rs)
        mod = mod / rs
        virt = lax.dot_general(mod, hg, (((1,), (1,)), ((0,), (0,))),
                               preferred_element_type=jnp.float32)
        virt2 = virt.reshape(_BG * _V, _H)
        virt2 = jnp.maximum(jnp.dot(virt2, v1_ref[...],
                                    preferred_element_type=jnp.float32)
                            + v1b_ref[...], 0.0)
        virt2 = jnp.dot(virt2, v2_ref[...],
                        preferred_element_type=jnp.float32) + v2b_ref[...]
        gf = jnp.mean(virt2.reshape(_BG, _V, _H), axis=1)
        og = jnp.maximum(jnp.dot(gf, m1_ref[...],
                                 preferred_element_type=jnp.float32)
                         + m1b_ref[...], 0.0)
        og = jnp.dot(og, m2_ref[...],
                     preferred_element_type=jnp.float32) + m2b_ref[...]
        o_ref[0] = og

    full = lambda *shape: pl.BlockSpec(shape, lambda g: (0,) * len(shape))
    out = pl.pallas_call(
        body,
        grid=(_G // _BG,),
        in_specs=[
            pl.BlockSpec((2, _BG, _NPG, _H), lambda g: (0, g, 0, 0)),
            pl.BlockSpec((_BG, _NPG, _H), lambda g: (g, 0, 0)),
            pl.BlockSpec((_BG, _NPG, 1), lambda g: (g, 0, 0)),
            full(1, _H),
            full(_H, _H), full(1, _H),
            full(_H, _H), full(1, _H),
            full(_H, _H), full(1, _H),
            full(_H, _H), full(1, _H),
            full(_H, _H), full(1, _H),
            full(_H, _OUT), full(1, _OUT),
            pl.BlockSpec((_BG, _NPG, _V), lambda g: (g, 0, 0)),
        ],
        out_specs=pl.BlockSpec((1, _BG, _OUT), lambda g: (g, 0, 0)),
        out_shape=jax.ShapeDtypeStruct((_G // _BG, _BG, _OUT), jnp.float32),
    )(acc_g, m_g, dinv_g, bg2d, a1w, a1b2d, a2w, a2b2d, v1w, v1b2d, v2w,
      v2b2d, m1w, m1b2d, m2w, m2b2d, ew)
    return out.reshape(_G, _OUT)


def kernel(x, edge_index, batch, W_emb, b_emb, W_gcn, b_gcn, A1_W, A1_b, A2_W,
           A2_b, V1_W, V1_b, V2_W, V2_b, M1_W, M1_b, M2_W, M2_b, edge_weights):
    del batch
    kb = 100
    src = edge_index[0].reshape(_E // kb, 1, kb)
    dst_flat = edge_index[1]
    dst = dst_flat.reshape(_E // kb, 1, kb)

    hist = _deg_hist(dst_flat)
    x_pad = jnp.pad(x, ((0, _NPAD - _N), (0, 0)))
    h2 = _tc_h2(x_pad, W_emb, b_emb.reshape(1, _H), W_gcn)
    m_s, dinv2d = _tc_scale(h2, hist)
    zrows = jnp.zeros((_NPAD, _H), jnp.float32)
    acc = _edge_scatter(m_s, src, dst, zrows)

    acc_g = acc.reshape(_NCORES, _NPAD, _H)[:, :_N].reshape(
        _NCORES, _G, _NPG, _H)
    m_g = m_s[:_N].reshape(_G, _NPG, _H)
    dinv_g = dinv2d[:_N].reshape(_G, _NPG, 1)
    return _tc_head(
        acc_g, m_g, dinv_g, b_gcn.reshape(1, _H),
        A1_W, A1_b.reshape(1, _H), A2_W, A2_b.reshape(1, _H),
        V1_W, V1_b.reshape(1, _H), V2_W, V2_b.reshape(1, _H),
        M1_W, M1_b.reshape(1, _H), M2_W, M2_b.reshape(1, _OUT),
        edge_weights)

# --- scband reference (transcript-rebuilt; emitter-appended) ---
"""Pipeline reference for scband-efficient-balanced-iprmpnnmodel-89876485636288 (READ-ONLY COPY).

The authoritative reference and input builder live on the scoring server;
editing this copy changes nothing except your own understanding.
"""

import jax, jax.numpy as jnp
import numpy as np

N = 10000; E = 320000; D = 128; H = 128; OUT = 6; G = 100; NPG = 100; V = 32

def _p(key, shape, scale=0.05):
    return jax.random.normal(key, shape, dtype=jnp.float32) * scale

def setup_inputs(seed: int = 0):
    key = jax.random.key(seed)
    ks = jax.random.split(key, 24)
    inp = {}
    inp['x'] = jax.random.normal(ks[0], (N, D), dtype=jnp.float32)
    inp['edge_index'] = jax.random.randint(ks[1], (2, E), 0, N, dtype=jnp.int32)
    inp['batch'] = jnp.repeat(jnp.arange(G, dtype=jnp.int32), NPG)
    inp['W_emb'] = _p(ks[2], (D, H)); inp['b_emb'] = _p(ks[3], (H,))
    inp['W_gcn'] = _p(ks[4], (H, H)); inp['b_gcn'] = _p(ks[5], (H,))
    inp['A1_W'] = _p(ks[6], (H, H)); inp['A1_b'] = _p(ks[7], (H,))
    inp['A2_W'] = _p(ks[8], (H, H)); inp['A2_b'] = _p(ks[9], (H,))
    inp['V1_W'] = _p(ks[10], (H, H)); inp['V1_b'] = _p(ks[11], (H,))
    inp['V2_W'] = _p(ks[12], (H, H)); inp['V2_b'] = _p(ks[13], (H,))
    inp['M1_W'] = _p(ks[14], (H, H)); inp['M1_b'] = _p(ks[15], (H,))
    inp['M2_W'] = _p(ks[16], (H, OUT)); inp['M2_b'] = _p(ks[17], (OUT,))
    inp['edge_weights'] = jnp.ones((G, NPG, V), dtype=jnp.float32) / V
    return inp

def reference(x, edge_index, batch, W_emb, b_emb, W_gcn, b_gcn, A1_W, A1_b, A2_W, A2_b, V1_W, V1_b, V2_W, V2_b, M1_W, M1_b, M2_W, M2_b, edge_weights):
    n = x.shape[0]
    # node embedding
    h = x @ W_emb + b_emb
    # GCNConv (symmetric norm with self loops), as in PyG, then ReLU
    src, dst = edge_index[0], edge_index[1]
    loop = jnp.arange(n, dtype=src.dtype)
    src2 = jnp.concatenate([src, loop]); dst2 = jnp.concatenate([dst, loop])
    deg = jnp.zeros((n,), dtype=jnp.float32).at[dst2].add(1.0)
    dinv = 1.0 / jnp.sqrt(deg)
    norm = dinv[src2] * dinv[dst2]
    m = h @ W_gcn
    h = jnp.zeros((n, m.shape[1]), dtype=jnp.float32).at[dst2].add(norm[:, None] * m[src2]) + b_gcn
    h = jax.nn.relu(h)
    # per-graph virtual-node aggregation (equal-sized graphs -> vectorized)
    num_graphs = edge_weights.shape[0]
    order = jnp.argsort(batch)
    gx = h[order].reshape(num_graphs, n // num_graphs, -1)
    t = jax.nn.relu(gx @ A1_W + A1_b) @ A2_W + A2_b
    proto = t.mean(axis=1, keepdims=True)
    n1 = jnp.maximum(jnp.linalg.norm(t, axis=-1), 1e-8)
    n2 = jnp.maximum(jnp.linalg.norm(proto, axis=-1), 1e-8)
    sim = (t * proto).sum(-1) / (n1 * n2)
    att = (1.0 + sim[..., None]) / 2.0
    mod = edge_weights * att
    rs = mod.sum(-1, keepdims=True)
    rs = jnp.where(rs == 0, 1.0, rs)
    mod = mod / rs
    virt = jnp.einsum('gnv,gnh->gvh', mod, gx)
    virt = jax.nn.relu(virt @ V1_W + V1_b) @ V2_W + V2_b
    gfeat = virt.mean(axis=1)
    out = jax.nn.relu(gfeat @ M1_W + M1_b) @ M2_W + M2_b
    return out

if __name__ == "__main__":
    import jax
    _d = setup_inputs()
    print(jax.jit(kernel)(*tuple(_d.values())))

</pallas_src>

<mosaic_0001>
#map = affine_map<(d0, d1) -> (0)>
#map1 = affine_map<(d0, d1) -> (0, 0)>
module attributes {stable_mosaic.version = 14 : i64} {
  func.func @run(%arg0: i32, %arg1: i32, %arg2: memref<320000xi32, #tpu.memory_space<hbm>>, %arg3: memref<2x10240xf32, #tpu.memory_space<hbm>>, %arg4: memref<2000xi32, #tpu.memory_space<vmem>>, %arg5: memref<10240xf32, #tpu.memory_space<vmem>>, %arg6: memref<640xf32, #tpu.memory_space<vmem>>, %arg7: memref<16x10240xf32, #tpu.memory_space<vmem_shared>>) attributes {dimension_semantics = [#tpu.dimension_semantics<core_parallel>, #tpu.dimension_semantics<subcore_parallel>], iteration_bounds = array<i64: 2, 16>, scalar_prefetch = 0 : i64, scratch_operands = 4 : i64, tpu.core_type = #tpu.core_type<sc_vector_subcore>, window_params = [{transform_indices = #map}, {transform_indices = #map1}]} {
    %broadcast_in_dim3A = arith.constant 0.000000e+00 : f32
    %broadcast_in_dim3A_0 = vector.broadcast %broadcast_in_dim3A : f32 to vector<16xf32>
    %broadcast_in_dim3A_1 = arith.constant 1.000000e+00 : f32
    %broadcast_in_dim3A_2 = vector.broadcast %broadcast_in_dim3A_1 : f32 to vector<16xf32>
    %scan3A = arith.constant 0 : i32
    %scan3A_3 = arith.constant 0 : i32
    %scan3A_4 = arith.constant 640 : i32
    %scan3A_5 = arith.addi %scan3A_3, %scan3A_4 : i32
    %scan3A_6 = arith.constant 1 : i32
    %scan3A_7 = scf.for %scan3A_35 = %scan3A_3 to %scan3A_5 step %scan3A_6 iter_args(%scan3A_36 = %scan3A) -> (i32)  : i32 {
      %mul3A_37 = arith.constant 16 : i32
      %mul3A_38 = arith.muli %scan3A_35, %mul3A_37 : i32
      %swap3A = arith.index_cast %mul3A_38 : i32 to index
      %swap3A_39 = tpu.vector_load %arg5[%swap3A] {strides = array<i32>} : memref<10240xf32, #tpu.memory_space<vmem>>, vector<16xf32>,
      tpu.vector_store %arg5[%swap3A], %broadcast_in_dim3A_0 {strides = array<i32>} : memref<10240xf32, #tpu.memory_space<vmem>>, vector<16xf32>,
      %scan3A_40 = arith.constant 0 : i32
      scf.yield %scan3A_40 : i32
    }
    %scan3A_8 = arith.constant 640 : i32
    %mul3A = arith.constant 16 : i32
    %mul3A_9 = arith.muli %arg0, %mul3A : i32
    %add3A = arith.addi %mul3A_9, %arg1 : i32
    %mul3A_10 = arith.constant 10000 : i32
    %mul3A_11 = arith.muli %add3A, %mul3A_10 : i32
    %scan3A_12 = arith.constant 0 : i32
    %scan3A_13 = arith.constant 0 : i32
    %scan3A_14 = arith.constant 5 : i32
    %scan3A_15 = arith.addi %scan3A_13, %scan3A_14 : i32
    %scan3A_16 = arith.constant 1 : i32
    %scan3A_17 = scf.for %scan3A_35 = %scan3A_13 to %scan3A_15 step %scan3A_16 iter_args(%scan3A_36 = %scan3A_12) -> (i32)  : i32 {
      %mul3A_37 = arith.constant 2000 : i32
      %mul3A_38 = arith.muli %scan3A_35, %mul3A_37 : i32
      %add3A_39 = arith.addi %mul3A_11, %mul3A_38 : i32
      "tpu.region"() ({
        %run_scoped3A = tpu.sem_alloc : memref<!tpu.dma_semaphore, #tpu.memory_space<semaphore_mem>>
        %dma_start3A = tpu.memref_slice %arg2[%add3A_39] : memref<320000xi32, #tpu.memory_space<hbm>> -> memref<2000xi32, #tpu.memory_space<hbm>>
        %dma_start3A_48 = tpu.memref_slice %arg2[%add3A_39] : memref<320000xi32, #tpu.memory_space<hbm>> -> memref<2000xi32, #tpu.memory_space<hbm>>
        tpu.enqueue_dma source(%dma_start3A_48 : memref<2000xi32, #tpu.memory_space<hbm>>) target(%arg4 : memref<2000xi32, #tpu.memory_space<vmem>>) target_semaphore(%run_scoped3A : memref<!tpu.dma_semaphore, #tpu.memory_space<semaphore_mem>>)
        %dma_wait3A = tpu.memref_slice %arg2[%add3A_39] : memref<320000xi32, #tpu.memory_space<hbm>> -> memref<2000xi32, #tpu.memory_space<hbm>>
        %dma_wait3A_49 = tpu.memref_slice %arg2[%add3A_39] : memref<320000xi32, #tpu.memory_space<hbm>> -> memref<2000xi32, #tpu.memory_space<hbm>>
        tpu.wait_dma2 semaphore(%run_scoped3A : memref<!tpu.dma_semaphore, #tpu.memory_space<semaphore_mem>>) src(%dma_wait3A_49 : memref<2000xi32, #tpu.memory_space<hbm>>) dst(%arg4 : memref<2000xi32, #tpu.memory_space<vmem>>)
        tpu.yield
      }) : () -> ()
      %scan3A_40 = arith.constant 0 : i32
      %scan3A_41 = arith.constant 0 : i32
      %scan3A_42 = arith.constant 125 : i32
      %scan3A_43 = arith.addi %scan3A_41, %scan3A_42 : i32
      %scan3A_44 = arith.constant 1 : i32
      %scan3A_45 = scf.for %scan3A_48 = %scan3A_41 to %scan3A_43 step %scan3A_44 iter_args(%scan3A_49 = %scan3A_40) -> (i32)  : i32 {
        %mul3A_50 = arith.constant 16 : i32
        %mul3A_51 = arith.muli %scan3A_48, %mul3A_50 : i32
        %get3A = arith.index_cast %mul3A_51 : i32 to index
        %get3A_52 = tpu.vector_load %arg4[%get3A] {strides = array<i32>} : memref<2000xi32, #tpu.memory_space<vmem>>, vector<16xi32>,
        tpu.vector_store_idx %arg5[%get3A_52], %broadcast_in_dim3A_2 {add = true} : memref<10240xf32, #tpu.memory_space<vmem>>[vector<16xi32>], vector<16xf32>,
        %scan3A_53 = arith.constant 0 : i32
        scf.yield %scan3A_53 : i32
      }
      %scan3A_46 = arith.constant 125 : i32
      %scan3A_47 = arith.constant 0 : i32
      scf.yield %scan3A_47 : i32
    }
    %scan3A_18 = arith.constant 5 : i32
    "tpu.region"() ({
      %run_scoped3A = tpu.sem_alloc : memref<!tpu.dma_semaphore, #tpu.memory_space<semaphore_mem>>
      %dma_start3A = arith.constant 0 : i32
      %dma_start3A_35 = tpu.memref_slice %arg7[%arg1, %dma_start3A] : memref<16x10240xf32, #tpu.memory_space<vmem_shared>> -> memref<1x10240xf32, #tpu.memory_space<vmem_shared>>
      %dma_start3A_36 = tpu.memref_squeeze %dma_start3A_35 : memref<1x10240xf32, #tpu.memory_space<vmem_shared>> -> memref<10240xf32, #tpu.memory_space<vmem_shared>>
      %dma_start3A_37 = arith.constant 0 : i32
      %dma_start3A_38 = tpu.memref_slice %arg7[%arg1, %dma_start3A_37] : memref<16x10240xf32, #tpu.memory_space<vmem_shared>> -> memref<1x10240xf32, #tpu.memory_space<vmem_shared>>
      %dma_start3A_39 = tpu.memref_squeeze %dma_start3A_38 : memref<1x10240xf32, #tpu.memory_space<vmem_shared>> -> memref<10240xf32, #tpu.memory_space<vmem_shared>>
      tpu.enqueue_dma source(%arg5 : memref<10240xf32, #tpu.memory_space<vmem>>) target(%dma_start3A_39 : memref<10240xf32, #tpu.memory_space<vmem_shared>>) target_semaphore(%run_scoped3A : memref<!tpu.dma_semaphore, #tpu.memory_space<semaphore_mem>>)
      %dma_wait3A = arith.constant 0 : i32
      %dma_wait3A_40 = tpu.memref_slice %arg7[%arg1, %dma_wait3A] : memref<16x10240xf32, #tpu.memory_space<vmem_shared>> -> memref<1x10240xf32, #tpu.memory_space<vmem_shared>>
      %dma_wait3A_41 = tpu.memref_squeeze %dma_wait3A_40 : memref<1x10240xf32, #tpu.memory_space<vmem_shared>> -> memref<10240xf32, #tpu.memory_space<vmem_shared>>
      %dma_wait3A_42 = arith.constant 0 : i32
      %dma_wait3A_43 = tpu.memref_slice %arg7[%arg1, %dma_wait3A_42] : memref<16x10240xf32, #tpu.memory_space<vmem_shared>> -> memref<1x10240xf32, #tpu.memory_space<vmem_shared>>
      %dma_wait3A_44 = tpu.memref_squeeze %dma_wait3A_43 : memref<1x10240xf32, #tpu.memory_space<vmem_shared>> -> memref<10240xf32, #tpu.memory_space<vmem_shared>>
      tpu.wait_dma2 semaphore(%run_scoped3A : memref<!tpu.dma_semaphore, #tpu.memory_space<semaphore_mem>>) src(%arg5 : memref<10240xf32, #tpu.memory_space<vmem>>) dst(%dma_wait3A_44 : memref<10240xf32, #tpu.memory_space<vmem_shared>>)
      tpu.yield
    }) : () -> ()
    %barrier3A = arith.constant 0 : index
    tpu.barrier barrier_id(%barrier3A)
    %scan3A_19 = arith.constant 0 : i32
    %scan3A_20 = arith.constant 0 : i32
    %scan3A_21 = arith.constant 40 : i32
    %scan3A_22 = arith.addi %scan3A_20, %scan3A_21 : i32
    %scan3A_23 = arith.constant 1 : i32
    %scan3A_24 = scf.for %scan3A_35 = %scan3A_20 to %scan3A_22 step %scan3A_23 iter_args(%scan3A_36 = %scan3A_19) -> (i32)  : i32 {
      %mul3A_37 = arith.constant 16 : i32
      %mul3A_38 = arith.muli %scan3A_35, %mul3A_37 : i32
      %swap3A = arith.index_cast %mul3A_38 : i32 to index
      %swap3A_39 = tpu.vector_load %arg6[%swap3A] {strides = array<i32>} : memref<640xf32, #tpu.memory_space<vmem>>, vector<16xf32>,
      tpu.vector_store %arg6[%swap3A], %broadcast_in_dim3A_0 {strides = array<i32>} : memref<640xf32, #tpu.memory_space<vmem>>, vector<16xf32>,
      %scan3A_40 = arith.constant 0 : i32
      scf.yield %scan3A_40 : i32
    }
    %scan3A_25 = arith.constant 40 : i32
    %scan3A_26 = arith.constant 0 : i32
    %scan3A_27 = arith.constant 0 : i32
    %scan3A_28 = arith.constant 16 : i32
    %scan3A_29 = arith.addi %scan3A_27, %scan3A_28 : i32
    %scan3A_30 = arith.constant 1 : i32
    %scan3A_31 = scf.for %scan3A_35 = %scan3A_27 to %scan3A_29 step %scan3A_30 iter_args(%scan3A_36 = %scan3A_26) -> (i32)  : i32 {
      %mul3A_37 = arith.constant 640 : i32
      %mul3A_38 = arith.muli %arg1, %mul3A_37 : i32
      "tpu.region"() ({
        %run_scoped3A = tpu.sem_alloc : memref<!tpu.dma_semaphore, #tpu.memory_space<semaphore_mem>>
        %dma_start3A = arith.constant 0 : i32
        %dma_start3A_47 = tpu.memref_slice %arg5[%dma_start3A] : memref<10240xf32, #tpu.memory_space<vmem>> -> memref<640xf32, #tpu.memory_space<vmem>>
        %dma_start3A_48 = tpu.memref_slice %arg7[%scan3A_35, %mul3A_38] : memref<16x10240xf32, #tpu.memory_space<vmem_shared>> -> memref<1x640xf32, #tpu.memory_space<vmem_shared>>
        %dma_start3A_49 = tpu.memref_squeeze %dma_start3A_48 : memref<1x640xf32, #tpu.memory_space<vmem_shared>> -> memref<640xf32, #tpu.memory_space<vmem_shared>>
        %dma_start3A_50 = arith.constant 0 : i32
        %dma_start3A_51 = tpu.memref_slice %arg5[%dma_start3A_50] : memref<10240xf32, #tpu.memory_space<vmem>> -> memref<640xf32, #tpu.memory_space<vmem>>
        %dma_start3A_52 = tpu.memref_slice %arg7[%scan3A_35, %mul3A_38] : memref<16x10240xf32, #tpu.memory_space<vmem_shared>> -> memref<1x640xf32, #tpu.memory_space<vmem_shared>>
        %dma_start3A_53 = tpu.memref_squeeze %dma_start3A_52 : memref<1x640xf32, #tpu.memory_space<vmem_shared>> -> memref<640xf32, #tpu.memory_space<vmem_shared>>
        tpu.enqueue_dma source(%dma_start3A_53 : memref<640xf32, #tpu.memory_space<vmem_shared>>) target(%dma_start3A_51 : memref<640xf32, #tpu.memory_space<vmem>>) target_semaphore(%run_scoped3A : memref<!tpu.dma_semaphore, #tpu.memory_space<semaphore_mem>>)
        %dma_wait3A = arith.constant 0 : i32
        %dma_wait3A_54 = tpu.memref_slice %arg5[%dma_wait3A] : memref<10240xf32, #tpu.memory_space<vmem>> -> memref<640xf32, #tpu.memory_space<vmem>>
        %dma_wait3A_55 = tpu.memref_slice %arg7[%scan3A_35, %mul3A_38] : memref<16x10240xf32, #tpu.memory_space<vmem_shared>> -> memref<1x640xf32, #tpu.memory_space<vmem_shared>>
        %dma_wait3A_56 = tpu.memref_squeeze %dma_wait3A_55 : memref<1x640xf32, #tpu.memory_space<vmem_shared>> -> memref<640xf32, #tpu.memory_space<vmem_shared>>
        %dma_wait3A_57 = arith.constant 0 : i32
        %dma_wait3A_58 = tpu.memref_slice %arg5[%dma_wait3A_57] : memref<10240xf32, #tpu.memory_space<vmem>> -> memref<640xf32, #tpu.memory_space<vmem>>
        %dma_wait3A_59 = tpu.memref_slice %arg7[%scan3A_35, %mul3A_38] : memref<16x10240xf32, #tpu.memory_space<vmem_shared>> -> memref<1x640xf32, #tpu.memory_space<vmem_shared>>
        %dma_wait3A_60 = tpu.memref_squeeze %dma_wait3A_59 : memref<1x640xf32, #tpu.memory_space<vmem_shared>> -> memref<640xf32, #tpu.memory_space<vmem_shared>>
        tpu.wait_dma2 semaphore(%run_scoped3A : memref<!tpu.dma_semaphore, #tpu.memory_space<semaphore_mem>>) src(%dma_wait3A_60 : memref<640xf32, #tpu.memory_space<vmem_shared>>) dst(%dma_wait3A_58 : memref<640xf32, #tpu.memory_space<vmem>>)
        tpu.yield
      }) : () -> ()
      %scan3A_39 = arith.constant 0 : i32
      %scan3A_40 = arith.constant 0 : i32
      %scan3A_41 = arith.constant 40 : i32
      %scan3A_42 = arith.addi %scan3A_40, %scan3A_41 : i32
      %scan3A_43 = arith.constant 1 : i32
      %scan3A_44 = scf.for %scan3A_47 = %scan3A_40 to %scan3A_42 step %scan3A_43 iter_args(%scan3A_48 = %scan3A_39) -> (i32)  : i32 {
        %mul3A_49 = arith.constant 16 : i32
        %mul3A_50 = arith.muli %scan3A_47, %mul3A_49 : i32
        %get3A = arith.index_cast %mul3A_50 : i32 to index
        %get3A_51 = tpu.vector_load %arg6[%get3A] {strides = array<i32>} : memref<640xf32, #tpu.memory_space<vmem>>, vector<16xf32>,
        %get3A_52 = arith.index_cast %mul3A_50 : i32 to index
        %get3A_53 = tpu.vector_load %arg5[%get3A_52] {strides = array<i32>} : memref<10240xf32, #tpu.memory_space<vmem>>, vector<16xf32>,
        %add3A_54 = arith.addf %get3A_51, %get3A_53 : vector<16xf32>
        %swap3A = arith.index_cast %mul3A_50 : i32 to index
        %swap3A_55 = tpu.vector_load %arg6[%swap3A] {strides = array<i32>} : memref<640xf32, #tpu.memory_space<vmem>>, vector<16xf32>,
        tpu.vector_store %arg6[%swap3A], %add3A_54 {strides = array<i32>} : memref<640xf32, #tpu.memory_space<vmem>>, vector<16xf32>,
        %scan3A_56 = arith.constant 0 : i32
        scf.yield %scan3A_56 : i32
      }
      %scan3A_45 = arith.constant 40 : i32
      %scan3A_46 = arith.constant 0 : i32
      scf.yield %scan3A_46 : i32
    }
    %scan3A_32 = arith.constant 16 : i32
    %mul3A_33 = arith.constant 640 : i32
    %mul3A_34 = arith.muli %arg1, %mul3A_33 : i32
    "tpu.region"() ({
      %run_scoped3A = tpu.sem_alloc : memref<!tpu.dma_semaphore, #tpu.memory_space<semaphore_mem>>
      %dma_start3A = tpu.memref_slice %arg3[%arg0, %mul3A_34] : memref<2x10240xf32, #tpu.memory_space<hbm>> -> memref<1x640xf32, #tpu.memory_space<hbm>>
      %dma_start3A_35 = tpu.memref_squeeze %dma_start3A : memref<1x640xf32, #tpu.memory_space<hbm>> -> memref<640xf32, #tpu.memory_space<hbm>>
      %dma_start3A_36 = tpu.memref_slice %arg3[%arg0, %mul3A_34] : memref<2x10240xf32, #tpu.memory_space<hbm>> -> memref<1x640xf32, #tpu.memory_space<hbm>>
      %dma_start3A_37 = tpu.memref_squeeze %dma_start3A_36 : memref<1x640xf32, #tpu.memory_space<hbm>> -> memref<640xf32, #tpu.memory_space<hbm>>
      tpu.enqueue_dma source(%arg6 : memref<640xf32, #tpu.memory_space<vmem>>) target(%dma_start3A_37 : memref<640xf32, #tpu.memory_space<hbm>>) target_semaphore(%run_scoped3A : memref<!tpu.dma_semaphore, #tpu.memory_space<semaphore_mem>>)
      %dma_wait3A = tpu.memref_slice %arg3[%arg0, %mul3A_34] : memref<2x10240xf32, #tpu.memory_space<hbm>> -> memref<1x640xf32, #tpu.memory_space<hbm>>
      %dma_wait3A_38 = tpu.memref_squeeze %dma_wait3A : memref<1x640xf32, #tpu.memory_space<hbm>> -> memref<640xf32, #tpu.memory_space<hbm>>
      %dma_wait3A_39 = tpu.memref_slice %arg3[%arg0, %mul3A_34] : memref<2x10240xf32, #tpu.memory_space<hbm>> -> memref<1x640xf32, #tpu.memory_space<hbm>>
      %dma_wait3A_40 = tpu.memref_squeeze %dma_wait3A_39 : memref<1x640xf32, #tpu.memory_space<hbm>> -> memref<640xf32, #tpu.memory_space<hbm>>
      tpu.wait_dma2 semaphore(%run_scoped3A : memref<!tpu.dma_semaphore, #tpu.memory_space<semaphore_mem>>) src(%arg6 : memref<640xf32, #tpu.memory_space<vmem>>) dst(%dma_wait3A_40 : memref<640xf32, #tpu.memory_space<hbm>>)
      tpu.yield
    }) : () -> ()
    return
  }
}

#map = affine_map<(d0, d1) -> (0, 0)>
#map1 = affine_map<(d0, d1) -> (0, 0, 0)>
module attributes {stable_mosaic.version = 14 : i64} {
  func.func @run(%arg0: i32, %arg1: i32, %arg2: memref<10240x128xf32, #tpu.memory_space<hbm>>, %arg3: memref<3200x1x100xi32, #tpu.memory_space<hbm>>, %arg4: memref<3200x1x100xi32, #tpu.memory_space<hbm>>, %arg5: memref<10240x128xf32, #tpu.memory_space<hbm>>, %arg6: memref<20480x128xf32, #tpu.memory_space<hbm>>, %arg7: memref<10240x128xf32, #tpu.memory_space<vmem_shared>>, %arg8: memref<100x128xf32, #tpu.memory_space<vmem>>, %arg9: memref<100x128xf32, #tpu.memory_space<vmem>>, %arg10: memref<100x128xf32, #tpu.memory_space<vmem>>, %arg11: memref<1x100xi32, #tpu.memory_space<vmem>>, %arg12: memref<1x100xi32, #tpu.memory_space<vmem>>, %arg13: memref<1x100xi32, #tpu.memory_space<vmem>>, %arg14: memref<1x100xi32, #tpu.memory_space<vmem>>, %arg15: memref<1x100xi32, #tpu.memory_space<vmem>>, %arg16: memref<1x100xi32, #tpu.memory_space<vmem>>, %arg17: memref<!tpu.dma_semaphore, #tpu.memory_space<semaphore_mem>>, %arg18: memref<!tpu.dma_semaphore, #tpu.memory_space<semaphore_mem>>, %arg19: memref<!tpu.dma_semaphore, #tpu.memory_space<semaphore_mem>>, %arg20: memref<!tpu.dma_semaphore, #tpu.memory_space<semaphore_mem>>, %arg21: memref<!tpu.dma_semaphore, #tpu.memory_space<semaphore_mem>>, %arg22: memref<!tpu.dma_semaphore, #tpu.memory_space<semaphore_mem>>, %arg23: memref<!tpu.dma_semaphore, #tpu.memory_space<semaphore_mem>>, %arg24: memref<!tpu.dma_semaphore, #tpu.memory_space<semaphore_mem>>, %arg25: memref<!tpu.dma_semaphore, #tpu.memory_space<semaphore_mem>>) attributes {dimension_semantics = [#tpu.dimension_semantics<core_parallel>, #tpu.dimension_semantics<subcore_parallel>], iteration_bounds = array<i64: 2, 16>, scalar_prefetch = 0 : i64, scratch_operands = 19 : i64, tpu.core_type = #tpu.core_type<sc_vector_subcore>, window_params = [{transform_indices = #map}, {transform_indices = #map1}, {transform_indices = #map1}, {transform_indices = #map}, {transform_indices = #map}]} {
    %mul3A = arith.constant 640 : i32
    %mul3A_0 = arith.muli %arg1, %mul3A : i32
    %mul3A_1 = arith.constant 640 : i32
    %mul3A_2 = arith.muli %arg1, %mul3A_1 : i32
    "tpu.region"() ({
      %run_scoped3A = tpu.sem_alloc : memref<!tpu.dma_semaphore, #tpu.memory_space<semaphore_mem>>
      %dma_start3A_56 = arith.constant 0 : i32
      %dma_start3A_57 = tpu.memref_slice %arg7[%mul3A_2, %dma_start3A_56] : memref<10240x128xf32, #tpu.memory_space<vmem_shared>> -> memref<640x128xf32, #tpu.memory_space<vmem_shared>>
      %dma_start3A_58 = arith.constant 0 : i32
      %dma_start3A_59 = tpu.memref_slice %arg5[%mul3A_0, %dma_start3A_58] : memref<10240x128xf32, #tpu.memory_space<hbm>> -> memref<640x128xf32, #tpu.memory_space<hbm>>
      tpu.enqueue_dma source(%dma_start3A_59 : memref<640x128xf32, #tpu.memory_space<hbm>>) target(%dma_start3A_57 : memref<640x128xf32, #tpu.memory_space<vmem_shared>>) target_semaphore(%run_scoped3A : memref<!tpu.dma_semaphore, #tpu.memory_space<semaphore_mem>>)
      %dma_wait3A_60 = arith.constant 0 : i32
      %dma_wait3A_61 = tpu.memref_slice %arg7[%mul3A_2, %dma_wait3A_60] : memref<10240x128xf32, #tpu.memory_space<vmem_shared>> -> memref<640x128xf32, #tpu.memory_space<vmem_shared>>
      %dma_wait3A_62 = arith.constant 0 : i32
      %dma_wait3A_63 = tpu.memref_slice %arg5[%mul3A_0, %dma_wait3A_62] : memref<10240x128xf32, #tpu.memory_space<hbm>> -> memref<640x128xf32, #tpu.memory_space<hbm>>
      tpu.wait_dma2 semaphore(%run_scoped3A : memref<!tpu.dma_semaphore, #tpu.memory_space<semaphore_mem>>) src(%dma_wait3A_63 : memref<640x128xf32, #tpu.memory_space<hbm>>) dst(%dma_wait3A_61 : memref<640x128xf32, #tpu.memory_space<vmem_shared>>)
      tpu.yield
    }) : () -> ()
    %mul3A_3 = arith.constant 16 : i32
    %mul3A_4 = arith.muli %arg0, %mul3A_3 : i32
    %add3A = arith.addi %mul3A_4, %arg1 : i32
    %mul3A_5 = arith.constant 100 : i32
    %mul3A_6 = arith.muli %add3A, %mul3A_5 : i32
    %dma_start3A = arith.constant 0 : i32
    %dma_start3A_7 = arith.constant 0 : i32
    %dma_start3A_8 = tpu.memref_slice %arg3[%mul3A_6, %dma_start3A, %dma_start3A_7] : memref<3200x1x100xi32, #tpu.memory_space<hbm>> -> memref<1x1x100xi32, #tpu.memory_space<hbm>>
    %dma_start3A_9 = tpu.memref_squeeze %dma_start3A_8 : memref<1x1x100xi32, #tpu.memory_space<hbm>> -> memref<1x100xi32, #tpu.memory_space<hbm>>
    %dma_start3A_10 = arith.constant 0 : i32
    %dma_start3A_11 = arith.constant 0 : i32
    %dma_start3A_12 = tpu.memref_slice %arg3[%mul3A_6, %dma_start3A_10, %dma_start3A_11] : memref<3200x1x100xi32, #tpu.memory_space<hbm>> -> memref<1x1x100xi32, #tpu.memory_space<hbm>>
    %dma_start3A_13 = tpu.memref_squeeze %dma_start3A_12 : memref<1x1x100xi32, #tpu.memory_space<hbm>> -> memref<1x100xi32, #tpu.memory_space<hbm>>
    tpu.enqueue_dma source(%dma_start3A_13 : memref<1x100xi32, #tpu.memory_space<hbm>>) target(%arg11 : memref<1x100xi32, #tpu.memory_space<vmem>>) target_semaphore(%arg17 : memref<!tpu.dma_semaphore, #tpu.memory_space<semaphore_mem>>)
    %dma_start3A_14 = arith.constant 0 : i32
    %dma_start3A_15 = arith.constant 0 : i32
    %dma_start3A_16 = tpu.memref_slice %arg4[%mul3A_6, %dma_start3A_14, %dma_start3A_15] : memref<3200x1x100xi32, #tpu.memory_space<hbm>> -> memref<1x1x100xi32, #tpu.memory_space<hbm>>
    %dma_start3A_17 = tpu.memref_squeeze %dma_start3A_16 : memref<1x1x100xi32, #tpu.memory_space<hbm>> -> memref<1x100xi32, #tpu.memory_space<hbm>>
    %dma_start3A_18 = arith.constant 0 : i32
    %dma_start3A_19 = arith.constant 0 : i32
    %dma_start3A_20 = tpu.memref_slice %arg4[%mul3A_6, %dma_start3A_18, %dma_start3A_19] : memref<3200x1x100xi32, #tpu.memory_space<hbm>> -> memref<1x1x100xi32, #tpu.memory_space<hbm>>
    %dma_start3A_21 = tpu.memref_squeeze %dma_start3A_20 : memref<1x1x100xi32, #tpu.memory_space<hbm>> -> memref<1x100xi32, #tpu.memory_space<hbm>>
    tpu.enqueue_dma source(%dma_start3A_21 : memref<1x100xi32, #tpu.memory_space<hbm>>) target(%arg14 : memref<1x100xi32, #tpu.memory_space<vmem>>) target_semaphore(%arg17 : memref<!tpu.dma_semaphore, #tpu.memory_space<semaphore_mem>>)
    %barrier3A = arith.constant 0 : index
    tpu.barrier barrier_id(%barrier3A)
    %scan3A = arith.constant 0 : i32
    %scan3A_22 = arith.constant 0 : i32
    %scan3A_23 = arith.constant 34 : i32
    %scan3A_24 = arith.addi %scan3A_22, %scan3A_23 : i32
    %scan3A_25 = arith.constant 1 : i32
    %scan3A_26 = scf.for %scan3A_56 = %scan3A_22 to %scan3A_24 step %scan3A_25 iter_args(%scan3A_57 = %scan3A) -> (i32)  : i32 {
      %mul3A_58 = arith.constant 3 : i32
      %mul3A_59 = arith.muli %scan3A_56, %mul3A_58 : i32
      %add3A_60 = arith.constant 0 : i32
      %add3A_61 = arith.addi %mul3A_59, %add3A_60 : i32
      %add3A_62 = arith.constant 1 : i32
      %add3A_63 = arith.addi %add3A_61, %add3A_62 : i32
      %lt3A = arith.constant 100 : i32
      %lt3A_64 = arith.cmpi slt, %add3A_63, %lt3A : i32
      %convert_element_type3A = arith.extui %lt3A_64 : i1 to i32
      %cond3A = arith.constant 0 : i32
      %cond3A_65 = arith.cmpi ne, %convert_element_type3A, %cond3A : i32
      scf.if %cond3A_65 {
        %ge3A_131 = arith.constant 2 : i32
        %ge3A_132 = arith.cmpi sge, %add3A_61, %ge3A_131 : i32
        %convert_element_type3A_133 = arith.extui %ge3A_132 : i1 to i32
        %cond3A_134 = arith.constant 0 : i32
        %cond3A_135 = arith.cmpi ne, %convert_element_type3A_133, %cond3A_134 : i32
        scf.if %cond3A_135 {
          %dma_wait3A_158 = arith.constant 0 : i32
          %dma_wait3A_159 = arith.constant 0 : i32
          %dma_wait3A_160 = tpu.memref_slice %arg15[%dma_wait3A_158, %dma_wait3A_159] : memref<1x100xi32, #tpu.memory_space<vmem>> -> memref<1x100xi32, #tpu.memory_space<vmem>>
          %dma_wait3A_161 = tpu.memref_squeeze %dma_wait3A_160 : memref<1x100xi32, #tpu.memory_space<vmem>> -> memref<100xi32, #tpu.memory_space<vmem>>
          %dma_wait3A_162 = arith.constant 0 : i32
          %dma_wait3A_163 = arith.constant 0 : i32
          %dma_wait3A_164 = tpu.memref_slice %arg7[%dma_wait3A_162, %dma_wait3A_163] : memref<10240x128xf32, #tpu.memory_space<vmem_shared>> -> memref<10240x128xf32, #tpu.memory_space<vmem_shared>>
          tpu.wait_indirect_dma semaphore(%arg24 : memref<!tpu.dma_semaphore, #tpu.memory_space<semaphore_mem>>) src(%arg9 : memref<100x128xf32, #tpu.memory_space<vmem>>) dst(%dma_wait3A_164 : memref<10240x128xf32, #tpu.memory_space<vmem_shared>>)
        } else {
        }
        %add3A_136 = arith.addi %mul3A_6, %add3A_61 : i32
        %add3A_137 = arith.constant 1 : i32
        %add3A_138 = arith.addi %add3A_136, %add3A_137 : i32
        %dma_start3A_139 = arith.constant 0 : i32
        %dma_start3A_140 = arith.constant 0 : i32
        %dma_start3A_141 = tpu.memref_slice %arg3[%add3A_138, %dma_start3A_139, %dma_start3A_140] : memref<3200x1x100xi32, #tpu.memory_space<hbm>> -> memref<1x1x100xi32, #tpu.memory_space<hbm>>
        %dma_start3A_142 = tpu.memref_squeeze %dma_start3A_141 : memref<1x1x100xi32, #tpu.memory_space<hbm>> -> memref<1x100xi32, #tpu.memory_space<hbm>>
        %dma_start3A_143 = arith.constant 0 : i32
        %dma_start3A_144 = arith.constant 0 : i32
        %dma_start3A_145 = tpu.memref_slice %arg3[%add3A_138, %dma_start3A_143, %dma_start3A_144] : memref<3200x1x100xi32, #tpu.memory_space<hbm>> -> memref<1x1x100xi32, #tpu.memory_space<hbm>>
        %dma_start3A_146 = tpu.memref_squeeze %dma_start3A_145 : memref<1x1x100xi32, #tpu.memory_space<hbm>> -> memref<1x100xi32, #tpu.memory_space<hbm>>
        tpu.enqueue_dma source(%dma_start3A_146 : memref<1x100xi32, #tpu.memory_space<hbm>>) target(%arg12 : memref<1x100xi32, #tpu.memory_space<vmem>>) target_semaphore(%arg18 : memref<!tpu.dma_semaphore, #tpu.memory_space<semaphore_mem>>)
        %add3A_147 = arith.addi %mul3A_6, %add3A_61 : i32
        %add3A_148 = arith.constant 1 : i32
        %add3A_149 = arith.addi %add3A_147, %add3A_148 : i32
        %dma_start3A_150 = arith.constant 0 : i32
        %dma_start3A_151 = arith.constant 0 : i32
        %dma_start3A_152 = tpu.memref_slice %arg4[%add3A_149, %dma_start3A_150, %dma_start3A_151] : memref<3200x1x100xi32, #tpu.memory_space<hbm>> -> memref<1x1x100xi32, #tpu.memory_space<hbm>>
        %dma_start3A_153 = tpu.memref_squeeze %dma_start3A_152 : memref<1x1x100xi32, #tpu.memory_space<hbm>> -> memref<1x100xi32, #tpu.memory_space<hbm>>
        %dma_start3A_154 = arith.constant 0 : i32
        %dma_start3A_155 = arith.constant 0 : i32
        %dma_start3A_156 = tpu.memref_slice %arg4[%add3A_149, %dma_start3A_154, %dma_start3A_155] : memref<3200x1x100xi32, #tpu.memory_space<hbm>> -> memref<1x1x100xi32, #tpu.memory_space<hbm>>
        %dma_start3A_157 = tpu.memref_squeeze %dma_start3A_156 : memref<1x1x100xi32, #tpu.memory_space<hbm>> -> memref<1x100xi32, #tpu.memory_space<hbm>>
        tpu.enqueue_dma source(%dma_start3A_157 : memref<1x100xi32, #tpu.memory_space<hbm>>) target(%arg15 : memref<1x100xi32, #tpu.memory_space<vmem>>) target_semaphore(%arg18 : memref<!tpu.dma_semaphore, #tpu.memory_space<semaphore_mem>>)
      } else {
      }
      %lt3A_66 = arith.constant 100 : i32
      %lt3A_67 = arith.cmpi slt, %add3A_61, %lt3A_66 : i32
      %convert_element_type3A_68 = arith.extui %lt3A_67 : i1 to i32
      %cond3A_69 = arith.constant 0 : i32
      %cond3A_70 = arith.cmpi ne, %convert_element_type3A_68, %cond3A_69 : i32
      scf.if %cond3A_70 {
        %dma_wait3A_131 = arith.constant 0 : i32
        %dma_wait3A_132 = arith.constant 0 : i32
        %dma_wait3A_133 = tpu.memref_slice %arg3[%mul3A_6, %dma_wait3A_131, %dma_wait3A_132] : memref<3200x1x100xi32, #tpu.memory_space<hbm>> -> memref<1x1x100xi32, #tpu.memory_space<hbm>>
        %dma_wait3A_134 = tpu.memref_squeeze %dma_wait3A_133 : memref<1x1x100xi32, #tpu.memory_space<hbm>> -> memref<1x100xi32, #tpu.memory_space<hbm>>
        %dma_wait3A_135 = arith.constant 0 : i32
        %dma_wait3A_136 = arith.constant 0 : i32
        %dma_wait3A_137 = tpu.memref_slice %arg3[%mul3A_6, %dma_wait3A_135, %dma_wait3A_136] : memref<3200x1x100xi32, #tpu.memory_space<hbm>> -> memref<1x1x100xi32, #tpu.memory_space<hbm>>
        %dma_wait3A_138 = tpu.memref_squeeze %dma_wait3A_137 : memref<1x1x100xi32, #tpu.memory_space<hbm>> -> memref<1x100xi32, #tpu.memory_space<hbm>>
        tpu.wait_dma2 semaphore(%arg17 : memref<!tpu.dma_semaphore, #tpu.memory_space<semaphore_mem>>) src(%dma_wait3A_138 : memref<1x100xi32, #tpu.memory_space<hbm>>) dst(%arg11 : memref<1x100xi32, #tpu.memory_space<vmem>>)
        %dma_wait3A_139 = arith.constant 0 : i32
        %dma_wait3A_140 = arith.constant 0 : i32
        %dma_wait3A_141 = tpu.memref_slice %arg4[%mul3A_6, %dma_wait3A_139, %dma_wait3A_140] : memref<3200x1x100xi32, #tpu.memory_space<hbm>> -> memref<1x1x100xi32, #tpu.memory_space<hbm>>
        %dma_wait3A_142 = tpu.memref_squeeze %dma_wait3A_141 : memref<1x1x100xi32, #tpu.memory_space<hbm>> -> memref<1x100xi32, #tpu.memory_space<hbm>>
        %dma_wait3A_143 = arith.constant 0 : i32
        %dma_wait3A_144 = arith.constant 0 : i32
        %dma_wait3A_145 = tpu.memref_slice %arg4[%mul3A_6, %dma_wait3A_143, %dma_wait3A_144] : memref<3200x1x100xi32, #tpu.memory_space<hbm>> -> memref<1x1x100xi32, #tpu.memory_space<hbm>>
        %dma_wait3A_146 = tpu.memref_squeeze %dma_wait3A_145 : memref<1x1x100xi32, #tpu.memory_space<hbm>> -> memref<1x100xi32, #tpu.memory_space<hbm>>
        tpu.wait_dma2 semaphore(%arg17 : memref<!tpu.dma_semaphore, #tpu.memory_space<semaphore_mem>>) src(%dma_wait3A_146 : memref<1x100xi32, #tpu.memory_space<hbm>>) dst(%arg14 : memref<1x100xi32, #tpu.memory_space<vmem>>)
        %dma_start3A_147 = arith.constant 0 : i32
        %dma_start3A_148 = arith.constant 0 : i32
        %dma_start3A_149 = tpu.memref_slice %arg11[%dma_start3A_147, %dma_start3A_148] : memref<1x100xi32, #tpu.memory_space<vmem>> -> memref<1x100xi32, #tpu.memory_space<vmem>>
        %dma_start3A_150 = tpu.memref_squeeze %dma_start3A_149 : memref<1x100xi32, #tpu.memory_space<vmem>> -> memref<100xi32, #tpu.memory_space<vmem>>
        %dma_start3A_151 = arith.constant 0 : i32
        %dma_start3A_152 = arith.constant 0 : i32
        %dma_start3A_153 = tpu.memref_slice %arg2[%dma_start3A_151, %dma_start3A_152] : memref<10240x128xf32, #tpu.memory_space<hbm>> -> memref<10240x128xf32, #tpu.memory_space<hbm>>
        tpu.enqueue_indirect_dma source(%dma_start3A_153 : memref<10240x128xf32, #tpu.memory_space<hbm>>) target(%arg8 : memref<100x128xf32, #tpu.memory_space<vmem>>) offsets(%dma_start3A_150 : memref<100xi32, #tpu.memory_space<vmem>>) semaphore(%arg20 : memref<!tpu.dma_semaphore, #tpu.memory_space<semaphore_mem>>)
      } else {
      }
      %ge3A = arith.constant 1 : i32
      %ge3A_71 = arith.cmpi sge, %add3A_61, %ge3A : i32
      %sub3A = arith.constant 1 : i32
      %sub3A_72 = arith.subi %add3A_61, %sub3A : i32
      %lt3A_73 = arith.constant 100 : i32
      %lt3A_74 = arith.cmpi slt, %sub3A_72, %lt3A_73 : i32
      %and3A = arith.andi %ge3A_71, %lt3A_74 : i1
      %convert_element_type3A_75 = arith.extui %and3A : i1 to i32
      %cond3A_76 = arith.constant 0 : i32
      %cond3A_77 = arith.cmpi ne, %convert_element_type3A_75, %cond3A_76 : i32
      scf.if %cond3A_77 {
        %dma_wait3A_131 = arith.constant 0 : i32
        %dma_wait3A_132 = arith.constant 0 : i32
        %dma_wait3A_133 = tpu.memref_slice %arg13[%dma_wait3A_131, %dma_wait3A_132] : memref<1x100xi32, #tpu.memory_space<vmem>> -> memref<1x100xi32, #tpu.memory_space<vmem>>
        %dma_wait3A_134 = tpu.memref_squeeze %dma_wait3A_133 : memref<1x100xi32, #tpu.memory_space<vmem>> -> memref<100xi32, #tpu.memory_space<vmem>>
        %dma_wait3A_135 = arith.constant 0 : i32
        %dma_wait3A_136 = arith.constant 0 : i32
        %dma_wait3A_137 = tpu.memref_slice %arg2[%dma_wait3A_135, %dma_wait3A_136] : memref<10240x128xf32, #tpu.memory_space<hbm>> -> memref<10240x128xf32, #tpu.memory_space<hbm>>
        tpu.wait_indirect_dma semaphore(%arg22 : memref<!tpu.dma_semaphore, #tpu.memory_space<semaphore_mem>>) src(%dma_wait3A_137 : memref<10240x128xf32, #tpu.memory_space<hbm>>) dst(%arg10 : memref<100x128xf32, #tpu.memory_space<vmem>>)
        %dma_start3A_138 = arith.constant 0 : i32
        %dma_start3A_139 = arith.constant 0 : i32
        %dma_start3A_140 = tpu.memref_slice %arg16[%dma_start3A_138, %dma_start3A_139] : memref<1x100xi32, #tpu.memory_space<vmem>> -> memref<1x100xi32, #tpu.memory_space<vmem>>
        %dma_start3A_141 = tpu.memref_squeeze %dma_start3A_140 : memref<1x100xi32, #tpu.memory_space<vmem>> -> memref<100xi32, #tpu.memory_space<vmem>>
        %dma_start3A_142 = arith.constant 0 : i32
        %dma_start3A_143 = arith.constant 0 : i32
        %dma_start3A_144 = tpu.memref_slice %arg7[%dma_start3A_142, %dma_start3A_143] : memref<10240x128xf32, #tpu.memory_space<vmem_shared>> -> memref<10240x128xf32, #tpu.memory_space<vmem_shared>>
        tpu.enqueue_indirect_dma source(%arg10 : memref<100x128xf32, #tpu.memory_space<vmem>>) target(%dma_start3A_144 : memref<10240x128xf32, #tpu.memory_space<vmem_shared>>) offsets(%dma_start3A_141 : memref<100xi32, #tpu.memory_space<vmem>>) semaphore(%arg25 : memref<!tpu.dma_semaphore, #tpu.memory_space<semaphore_mem>>) {add = true}
      } else {
      }
      %mul3A_78 = arith.constant 3 : i32
      %mul3A_79 = arith.muli %scan3A_56, %mul3A_78 : i32
      %add3A_80 = arith.constant 1 : i32
      %add3A_81 = arith.addi %mul3A_79, %add3A_80 : i32
      %add3A_82 = arith.constant 1 : i32
      %add3A_83 = arith.addi %add3A_81, %add3A_82 : i32
      %lt3A_84 = arith.constant 100 : i32
      %lt3A_85 = arith.cmpi slt, %add3A_83, %lt3A_84 : i32
      %convert_element_type3A_86 = arith.extui %lt3A_85 : i1 to i32
      %cond3A_87 = arith.constant 0 : i32
      %cond3A_88 = arith.cmpi ne, %convert_element_type3A_86, %cond3A_87 : i32
      scf.if %cond3A_88 {
        %ge3A_131 = arith.constant 2 : i32
        %ge3A_132 = arith.cmpi sge, %add3A_81, %ge3A_131 : i32
        %convert_element_type3A_133 = arith.extui %ge3A_132 : i1 to i32
        %cond3A_134 = arith.constant 0 : i32
        %cond3A_135 = arith.cmpi ne, %convert_element_type3A_133, %cond3A_134 : i32
        scf.if %cond3A_135 {
          %dma_wait3A_158 = arith.constant 0 : i32
          %dma_wait3A_159 = arith.constant 0 : i32
          %dma_wait3A_160 = tpu.memref_slice %arg16[%dma_wait3A_158, %dma_wait3A_159] : memref<1x100xi32, #tpu.memory_space<vmem>> -> memref<1x100xi32, #tpu.memory_space<vmem>>
          %dma_wait3A_161 = tpu.memref_squeeze %dma_wait3A_160 : memref<1x100xi32, #tpu.memory_space<vmem>> -> memref<100xi32, #tpu.memory_space<vmem>>
          %dma_wait3A_162 = arith.constant 0 : i32
          %dma_wait3A_163 = arith.constant 0 : i32
          %dma_wait3A_164 = tpu.memref_slice %arg7[%dma_wait3A_162, %dma_wait3A_163] : memref<10240x128xf32, #tpu.memory_space<vmem_shared>> -> memref<10240x128xf32, #tpu.memory_space<vmem_shared>>
          tpu.wait_indirect_dma semaphore(%arg25 : memref<!tpu.dma_semaphore, #tpu.memory_space<semaphore_mem>>) src(%arg10 : memref<100x128xf32, #tpu.memory_space<vmem>>) dst(%dma_wait3A_164 : memref<10240x128xf32, #tpu.memory_space<vmem_shared>>)
        } else {
        }
        %add3A_136 = arith.addi %mul3A_6, %add3A_81 : i32
        %add3A_137 = arith.constant 1 : i32
        %add3A_138 = arith.addi %add3A_136, %add3A_137 : i32
        %dma_start3A_139 = arith.constant 0 : i32
        %dma_start3A_140 = arith.constant 0 : i32
        %dma_start3A_141 = tpu.memref_slice %arg3[%add3A_138, %dma_start3A_139, %dma_start3A_140] : memref<3200x1x100xi32, #tpu.memory_space<hbm>> -> memref<1x1x100xi32, #tpu.memory_space<hbm>>
        %dma_start3A_142 = tpu.memref_squeeze %dma_start3A_141 : memref<1x1x100xi32, #tpu.memory_space<hbm>> -> memref<1x100xi32, #tpu.memory_space<hbm>>
        %dma_start3A_143 = arith.constant 0 : i32
        %dma_start3A_144 = arith.constant 0 : i32
        %dma_start3A_145 = tpu.memref_slice %arg3[%add3A_138, %dma_start3A_143, %dma_start3A_144] : memref<3200x1x100xi32, #tpu.memory_space<hbm>> -> memref<1x1x100xi32, #tpu.memory_space<hbm>>
        %dma_start3A_146 = tpu.memref_squeeze %dma_start3A_145 : memref<1x1x100xi32, #tpu.memory_space<hbm>> -> memref<1x100xi32, #tpu.memory_space<hbm>>
        tpu.enqueue_dma source(%dma_start3A_146 : memref<1x100xi32, #tpu.memory_space<hbm>>) target(%arg13 : memref<1x100xi32, #tpu.memory_space<vmem>>) target_semaphore(%arg19 : memref<!tpu.dma_semaphore, #tpu.memory_space<semaphore_mem>>)
        %add3A_147 = arith.addi %mul3A_6, %add3A_81 : i32
        %add3A_148 = arith.constant 1 : i32
        %add3A_149 = arith.addi %add3A_147, %add3A_148 : i32
        %dma_start3A_150 = arith.constant 0 : i32
        %dma_start3A_151 = arith.constant 0 : i32
        %dma_start3A_152 = tpu.memref_slice %arg4[%add3A_149, %dma_start3A_150, %dma_start3A_151] : memref<3200x1x100xi32, #tpu.memory_space<hbm>> -> memref<1x1x100xi32, #tpu.memory_space<hbm>>
        %dma_start3A_153 = tpu.memref_squeeze %dma_start3A_152 : memref<1x1x100xi32, #tpu.memory_space<hbm>> -> memref<1x100xi32, #tpu.memory_space<hbm>>
        %dma_start3A_154 = arith.constant 0 : i32
        %dma_start3A_155 = arith.constant 0 : i32
        %dma_start3A_156 = tpu.memref_slice %arg4[%add3A_149, %dma_start3A_154, %dma_start3A_155] : memref<3200x1x100xi32, #tpu.memory_space<hbm>> -> memref<1x1x100xi32, #tpu.memory_space<hbm>>
        %dma_start3A_157 = tpu.memref_squeeze %dma_start3A_156 : memref<1x1x100xi32, #tpu.memory_space<hbm>> -> memref<1x100xi32, #tpu.memory_space<hbm>>
        tpu.enqueue_dma source(%dma_start3A_157 : memref<1x100xi32, #tpu.memory_space<hbm>>) target(%arg16 : memref<1x100xi32, #tpu.memory_space<vmem>>) target_semaphore(%arg19 : memref<!tpu.dma_semaphore, #tpu.memory_space<semaphore_mem>>)
      } else {
      }
      %lt3A_89 = arith.constant 100 : i32
      %lt3A_90 = arith.cmpi slt, %add3A_81, %lt3A_89 : i32
      %convert_element_type3A_91 = arith.extui %lt3A_90 : i1 to i32
      %cond3A_92 = arith.constant 0 : i32
      %cond3A_93 = arith.cmpi ne, %convert_element_type3A_91, %cond3A_92 : i32
      scf.if %cond3A_93 {
        %dma_wait3A_131 = arith.constant 0 : i32
        %dma_wait3A_132 = arith.constant 0 : i32
        %dma_wait3A_133 = tpu.memref_slice %arg3[%mul3A_6, %dma_wait3A_131, %dma_wait3A_132] : memref<3200x1x100xi32, #tpu.memory_space<hbm>> -> memref<1x1x100xi32, #tpu.memory_space<hbm>>
        %dma_wait3A_134 = tpu.memref_squeeze %dma_wait3A_133 : memref<1x1x100xi32, #tpu.memory_space<hbm>> -> memref<1x100xi32, #tpu.memory_space<hbm>>
        %dma_wait3A_135 = arith.constant 0 : i32
        %dma_wait3A_136 = arith.constant 0 : i32
        %dma_wait3A_137 = tpu.memref_slice %arg3[%mul3A_6, %dma_wait3A_135, %dma_wait3A_136] : memref<3200x1x100xi32, #tpu.memory_space<hbm>> -> memref<1x1x100xi32, #tpu.memory_space<hbm>>
        %dma_wait3A_138 = tpu.memref_squeeze %dma_wait3A_137 : memref<1x1x100xi32, #tpu.memory_space<hbm>> -> memref<1x100xi32, #tpu.memory_space<hbm>>
        tpu.wait_dma2 semaphore(%arg18 : memref<!tpu.dma_semaphore, #tpu.memory_space<semaphore_mem>>) src(%dma_wait3A_138 : memref<1x100xi32, #tpu.memory_space<hbm>>) dst(%arg12 : memref<1x100xi32, #tpu.memory_space<vmem>>)
        %dma_wait3A_139 = arith.constant 0 : i32
        %dma_wait3A_140 = arith.constant 0 : i32
        %dma_wait3A_141 = tpu.memref_slice %arg4[%mul3A_6, %dma_wait3A_139, %dma_wait3A_140] : memref<3200x1x100xi32, #tpu.memory_space<hbm>> -> memref<1x1x100xi32, #tpu.memory_space<hbm>>
        %dma_wait3A_142 = tpu.memref_squeeze %dma_wait3A_141 : memref<1x1x100xi32, #tpu.memory_space<hbm>> -> memref<1x100xi32, #tpu.memory_space<hbm>>
        %dma_wait3A_143 = arith.constant 0 : i32
        %dma_wait3A_144 = arith.constant 0 : i32
        %dma_wait3A_145 = tpu.memref_slice %arg4[%mul3A_6, %dma_wait3A_143, %dma_wait3A_144] : memref<3200x1x100xi32, #tpu.memory_space<hbm>> -> memref<1x1x100xi32, #tpu.memory_space<hbm>>
        %dma_wait3A_146 = tpu.memref_squeeze %dma_wait3A_145 : memref<1x1x100xi32, #tpu.memory_space<hbm>> -> memref<1x100xi32, #tpu.memory_space<hbm>>
        tpu.wait_dma2 semaphore(%arg18 : memref<!tpu.dma_semaphore, #tpu.memory_space<semaphore_mem>>) src(%dma_wait3A_146 : memref<1x100xi32, #tpu.memory_space<hbm>>) dst(%arg15 : memref<1x100xi32, #tpu.memory_space<vmem>>)
        %dma_start3A_147 = arith.constant 0 : i32
        %dma_start3A_148 = arith.constant 0 : i32
        %dma_start3A_149 = tpu.memref_slice %arg12[%dma_start3A_147, %dma_start3A_148] : memref<1x100xi32, #tpu.memory_space<vmem>> -> memref<1x100xi32, #tpu.memory_space<vmem>>
        %dma_start3A_150 = tpu.memref_squeeze %dma_start3A_149 : memref<1x100xi32, #tpu.memory_space<vmem>> -> memref<100xi32, #tpu.memory_space<vmem>>
        %dma_start3A_151 = arith.constant 0 : i32
        %dma_start3A_152 = arith.constant 0 : i32
        %dma_start3A_153 = tpu.memref_slice %arg2[%dma_start3A_151, %dma_start3A_152] : memref<10240x128xf32, #tpu.memory_space<hbm>> -> memref<10240x128xf32, #tpu.memory_space<hbm>>
        tpu.enqueue_indirect_dma source(%dma_start3A_153 : memref<10240x128xf32, #tpu.memory_space<hbm>>) target(%arg9 : memref<100x128xf32, #tpu.memory_space<vmem>>) offsets(%dma_start3A_150 : memref<100xi32, #tpu.memory_space<vmem>>) semaphore(%arg21 : memref<!tpu.dma_semaphore, #tpu.memory_space<semaphore_mem>>)
      } else {
      }
      %ge3A_94 = arith.constant 1 : i32
      %ge3A_95 = arith.cmpi sge, %add3A_81, %ge3A_94 : i32
      %sub3A_96 = arith.constant 1 : i32
      %sub3A_97 = arith.subi %add3A_81, %sub3A_96 : i32
      %lt3A_98 = arith.constant 100 : i32
      %lt3A_99 = arith.cmpi slt, %sub3A_97, %lt3A_98 : i32
      %and3A_100 = arith.andi %ge3A_95, %lt3A_99 : i1
      %convert_element_type3A_101 = arith.extui %and3A_100 : i1 to i32
      %cond3A_102 = arith.constant 0 : i32
      %cond3A_103 = arith.cmpi ne, %convert_element_type3A_101, %cond3A_102 : i32
      scf.if %cond3A_103 {
        %dma_wait3A_131 = arith.constant 0 : i32
        %dma_wait3A_132 = arith.constant 0 : i32
        %dma_wait3A_133 = tpu.memref_slice %arg11[%dma_wait3A_131, %dma_wait3A_132] : memref<1x100xi32, #tpu.memory_space<vmem>> -> memref<1x100xi32, #tpu.memory_space<vmem>>
        %dma_wait3A_134 = tpu.memref_squeeze %dma_wait3A_133 : memref<1x100xi32, #tpu.memory_space<vmem>> -> memref<100xi32, #tpu.memory_space<vmem>>
        %dma_wait3A_135 = arith.constant 0 : i32
        %dma_wait3A_136 = arith.constant 0 : i32
        %dma_wait3A_137 = tpu.memref_slice %arg2[%dma_wait3A_135, %dma_wait3A_136] : memref<10240x128xf32, #tpu.memory_space<hbm>> -> memref<10240x128xf32, #tpu.memory_space<hbm>>
        tpu.wait_indirect_dma semaphore(%arg20 : memref<!tpu.dma_semaphore, #tpu.memory_space<semaphore_mem>>) src(%dma_wait3A_137 : memref<10240x128xf32, #tpu.memory_space<hbm>>) dst(%arg8 : memref<100x128xf32, #tpu.memory_space<vmem>>)
        %dma_start3A_138 = arith.constant 0 : i32
        %dma_start3A_139 = arith.constant 0 : i32
        %dma_start3A_140 = tpu.memref_slice %arg14[%dma_start3A_138, %dma_start3A_139] : memref<1x100xi32, #tpu.memory_space<vmem>> -> memref<1x100xi32, #tpu.memory_space<vmem>>
        %dma_start3A_141 = tpu.memref_squeeze %dma_start3A_140 : memref<1x100xi32, #tpu.memory_space<vmem>> -> memref<100xi32, #tpu.memory_space<vmem>>
        %dma_start3A_142 = arith.constant 0 : i32
        %dma_start3A_143 = arith.constant 0 : i32
        %dma_start3A_144 = tpu.memref_slice %arg7[%dma_start3A_142, %dma_start3A_143] : memref<10240x128xf32, #tpu.memory_space<vmem_shared>> -> memref<10240x128xf32, #tpu.memory_space<vmem_shared>>
        tpu.enqueue_indirect_dma source(%arg8 : memref<100x128xf32, #tpu.memory_space<vmem>>) target(%dma_start3A_144 : memref<10240x128xf32, #tpu.memory_space<vmem_shared>>) offsets(%dma_start3A_141 : memref<100xi32, #tpu.memory_space<vmem>>) semaphore(%arg23 : memref<!tpu.dma_semaphore, #tpu.memory_space<semaphore_mem>>) {add = true}
      } else {
      }
      %mul3A_104 = arith.constant 3 : i32
      %mul3A_105 = arith.muli %scan3A_56, %mul3A_104 : i32
      %add3A_106 = arith.constant 2 : i32
      %add3A_107 = arith.addi %mul3A_105, %add3A_106 : i32
      %add3A_108 = arith.constant 1 : i32
      %add3A_109 = arith.addi %add3A_107, %add3A_108 : i32
      %lt3A_110 = arith.constant 100 : i32
      %lt3A_111 = arith.cmpi slt, %add3A_109, %lt3A_110 : i32
      %convert_element_type3A_112 = arith.extui %lt3A_111 : i1 to i32
      %cond3A_113 = arith.constant 0 : i32
      %cond3A_114 = arith.cmpi ne, %convert_element_type3A_112, %cond3A_113 : i32
      scf.if %cond3A_114 {
        %ge3A_131 = arith.constant 2 : i32
        %ge3A_132 = arith.cmpi sge, %add3A_107, %ge3A_131 : i32
        %convert_element_type3A_133 = arith.extui %ge3A_132 : i1 to i32
        %cond3A_134 = arith.constant 0 : i32
        %cond3A_135 = arith.cmpi ne, %convert_element_type3A_133, %cond3A_134 : i32
        scf.if %cond3A_135 {
          %dma_wait3A_158 = arith.constant 0 : i32
          %dma_wait3A_159 = arith.constant 0 : i32
          %dma_wait3A_160 = tpu.memref_slice %arg14[%dma_wait3A_158, %dma_wait3A_159] : memref<1x100xi32, #tpu.memory_space<vmem>> -> memref<1x100xi32, #tpu.memory_space<vmem>>
          %dma_wait3A_161 = tpu.memref_squeeze %dma_wait3A_160 : memref<1x100xi32, #tpu.memory_space<vmem>> -> memref<100xi32, #tpu.memory_space<vmem>>
          %dma_wait3A_162 = arith.constant 0 : i32
          %dma_wait3A_163 = arith.constant 0 : i32
          %dma_wait3A_164 = tpu.memref_slice %arg7[%dma_wait3A_162, %dma_wait3A_163] : memref<10240x128xf32, #tpu.memory_space<vmem_shared>> -> memref<10240x128xf32, #tpu.memory_space<vmem_shared>>
          tpu.wait_indirect_dma semaphore(%arg23 : memref<!tpu.dma_semaphore, #tpu.memory_space<semaphore_mem>>) src(%arg8 : memref<100x128xf32, #tpu.memory_space<vmem>>) dst(%dma_wait3A_164 : memref<10240x128xf32, #tpu.memory_space<vmem_shared>>)
        } else {
        }
        %add3A_136 = arith.addi %mul3A_6, %add3A_107 : i32
        %add3A_137 = arith.constant 1 : i32
        %add3A_138 = arith.addi %add3A_136, %add3A_137 : i32
        %dma_start3A_139 = arith.constant 0 : i32
        %dma_start3A_140 = arith.constant 0 : i32
        %dma_start3A_141 = tpu.memref_slice %arg3[%add3A_138, %dma_start3A_139, %dma_start3A_140] : memref<3200x1x100xi32, #tpu.memory_space<hbm>> -> memref<1x1x100xi32, #tpu.memory_space<hbm>>
        %dma_start3A_142 = tpu.memref_squeeze %dma_start3A_141 : memref<1x1x100xi32, #tpu.memory_space<hbm>> -> memref<1x100xi32, #tpu.memory_space<hbm>>
        %dma_start3A_143 = arith.constant 0 : i32
        %dma_start3A_144 = arith.constant 0 : i32
        %dma_start3A_145 = tpu.memref_slice %arg3[%add3A_138, %dma_start3A_143, %dma_start3A_144] : memref<3200x1x100xi32, #tpu.memory_space<hbm>> -> memref<1x1x100xi32, #tpu.memory_space<hbm>>
        %dma_start3A_146 = tpu.memref_squeeze %dma_start3A_145 : memref<1x1x100xi32, #tpu.memory_space<hbm>> -> memref<1x100xi32, #tpu.memory_space<hbm>>
        tpu.enqueue_dma source(%dma_start3A_146 : memref<1x100xi32, #tpu.memory_space<hbm>>) target(%arg11 : memref<1x100xi32, #tpu.memory_space<vmem>>) target_semaphore(%arg17 : memref<!tpu.dma_semaphore, #tpu.memory_space<semaphore_mem>>)
        %add3A_147 = arith.addi %mul3A_6, %add3A_107 : i32
        %add3A_148 = arith.constant 1 : i32
        %add3A_149 = arith.addi %add3A_147, %add3A_148 : i32
        %dma_start3A_150 = arith.constant 0 : i32
        %dma_start3A_151 = arith.constant 0 : i32
        %dma_start3A_152 = tpu.memref_slice %arg4[%add3A_149, %dma_start3A_150, %dma_start3A_151] : memref<3200x1x100xi32, #tpu.memory_space<hbm>> -> memref<1x1x100xi32, #tpu.memory_space<hbm>>
        %dma_start3A_153 = tpu.memref_squeeze %dma_start3A_152 : memref<1x1x100xi32, #tpu.memory_space<hbm>> -> memref<1x100xi32, #tpu.memory_space<hbm>>
        %dma_start3A_154 = arith.constant 0 : i32
        %dma_start3A_155 = arith.constant 0 : i32
        %dma_start3A_156 = tpu.memref_slice %arg4[%add3A_149, %dma_start3A_154, %dma_start3A_155] : memref<3200x1x100xi32, #tpu.memory_space<hbm>> -> memref<1x1x100xi32, #tpu.memory_space<hbm>>
        %dma_start3A_157 = tpu.memref_squeeze %dma_start3A_156 : memref<1x1x100xi32, #tpu.memory_space<hbm>> -> memref<1x100xi32, #tpu.memory_space<hbm>>
        tpu.enqueue_dma source(%dma_start3A_157 : memref<1x100xi32, #tpu.memory_space<hbm>>) target(%arg14 : memref<1x100xi32, #tpu.memory_space<vmem>>) target_semaphore(%arg17 : memref<!tpu.dma_semaphore, #tpu.memory_space<semaphore_mem>>)
      } else {
      }
      %lt3A_115 = arith.constant 100 : i32
      %lt3A_116 = arith.cmpi slt, %add3A_107, %lt3A_115 : i32
      %convert_element_type3A_117 = arith.extui %lt3A_116 : i1 to i32
      %cond3A_118 = arith.constant 0 : i32
      %cond3A_119 = arith.cmpi ne, %convert_element_type3A_117, %cond3A_118 : i32
      scf.if %cond3A_119 {
        %dma_wait3A_131 = arith.constant 0 : i32
        %dma_wait3A_132 = arith.constant 0 : i32
        %dma_wait3A_133 = tpu.memref_slice %arg3[%mul3A_6, %dma_wait3A_131, %dma_wait3A_132] : memref<3200x1x100xi32, #tpu.memory_space<hbm>> -> memref<1x1x100xi32, #tpu.memory_space<hbm>>
        %dma_wait3A_134 = tpu.memref_squeeze %dma_wait3A_133 : memref<1x1x100xi32, #tpu.memory_space<hbm>> -> memref<1x100xi32, #tpu.memory_space<hbm>>
        %dma_wait3A_135 = arith.constant 0 : i32
        %dma_wait3A_136 = arith.constant 0 : i32
        %dma_wait3A_137 = tpu.memref_slice %arg3[%mul3A_6, %dma_wait3A_135, %dma_wait3A_136] : memref<3200x1x100xi32, #tpu.memory_space<hbm>> -> memref<1x1x100xi32, #tpu.memory_space<hbm>>
        %dma_wait3A_138 = tpu.memref_squeeze %dma_wait3A_137 : memref<1x1x100xi32, #tpu.memory_space<hbm>> -> memref<1x100xi32, #tpu.memory_space<hbm>>
        tpu.wait_dma2 semaphore(%arg19 : memref<!tpu.dma_semaphore, #tpu.memory_space<semaphore_mem>>) src(%dma_wait3A_138 : memref<1x100xi32, #tpu.memory_space<hbm>>) dst(%arg13 : memref<1x100xi32, #tpu.memory_space<vmem>>)
        %dma_wait3A_139 = arith.constant 0 : i32
        %dma_wait3A_140 = arith.constant 0 : i32
        %dma_wait3A_141 = tpu.memref_slice %arg4[%mul3A_6, %dma_wait3A_139, %dma_wait3A_140] : memref<3200x1x100xi32, #tpu.memory_space<hbm>> -> memref<1x1x100xi32, #tpu.memory_space<hbm>>
        %dma_wait3A_142 = tpu.memref_squeeze %dma_wait3A_141 : memref<1x1x100xi32, #tpu.memory_space<hbm>> -> memref<1x100xi32, #tpu.memory_space<hbm>>
        %dma_wait3A_143 = arith.constant 0 : i32
        %dma_wait3A_144 = arith.constant 0 : i32
        %dma_wait3A_145 = tpu.memref_slice %arg4[%mul3A_6, %dma_wait3A_143, %dma_wait3A_144] : memref<3200x1x100xi32, #tpu.memory_space<hbm>> -> memref<1x1x100xi32, #tpu.memory_space<hbm>>
        %dma_wait3A_146 = tpu.memref_squeeze %dma_wait3A_145 : memref<1x1x100xi32, #tpu.memory_space<hbm>> -> memref<1x100xi32, #tpu.memory_space<hbm>>
        tpu.wait_dma2 semaphore(%arg19 : memref<!tpu.dma_semaphore, #tpu.memory_space<semaphore_mem>>) src(%dma_wait3A_146 : memref<1x100xi32, #tpu.memory_space<hbm>>) dst(%arg16 : memref<1x100xi32, #tpu.memory_space<vmem>>)
        %dma_start3A_147 = arith.constant 0 : i32
        %dma_start3A_148 = arith.constant 0 : i32
        %dma_start3A_149 = tpu.memref_slice %arg13[%dma_start3A_147, %dma_start3A_148] : memref<1x100xi32, #tpu.memory_space<vmem>> -> memref<1x100xi32, #tpu.memory_space<vmem>>
        %dma_start3A_150 = tpu.memref_squeeze %dma_start3A_149 : memref<1x100xi32, #tpu.memory_space<vmem>> -> memref<100xi32, #tpu.memory_space<vmem>>
        %dma_start3A_151 = arith.constant 0 : i32
        %dma_start3A_152 = arith.constant 0 : i32
        %dma_start3A_153 = tpu.memref_slice %arg2[%dma_start3A_151, %dma_start3A_152] : memref<10240x128xf32, #tpu.memory_space<hbm>> -> memref<10240x128xf32, #tpu.memory_space<hbm>>
        tpu.enqueue_indirect_dma source(%dma_start3A_153 : memref<10240x128xf32, #tpu.memory_space<hbm>>) target(%arg10 : memref<100x128xf32, #tpu.memory_space<vmem>>) offsets(%dma_start3A_150 : memref<100xi32, #tpu.memory_space<vmem>>) semaphore(%arg22 : memref<!tpu.dma_semaphore, #tpu.memory_space<semaphore_mem>>)
      } else {
      }
      %ge3A_120 = arith.constant 1 : i32
      %ge3A_121 = arith.cmpi sge, %add3A_107, %ge3A_120 : i32
      %sub3A_122 = arith.constant 1 : i32
      %sub3A_123 = arith.subi %add3A_107, %sub3A_122 : i32
      %lt3A_124 = arith.constant 100 : i32
      %lt3A_125 = arith.cmpi slt, %sub3A_123, %lt3A_124 : i32
      %and3A_126 = arith.andi %ge3A_121, %lt3A_125 : i1
      %convert_element_type3A_127 = arith.extui %and3A_126 : i1 to i32
      %cond3A_128 = arith.constant 0 : i32
      %cond3A_129 = arith.cmpi ne, %convert_element_type3A_127, %cond3A_128 : i32
      scf.if %cond3A_129 {
        %dma_wait3A_131 = arith.constant 0 : i32
        %dma_wait3A_132 = arith.constant 0 : i32
        %dma_wait3A_133 = tpu.memref_slice %arg12[%dma_wait3A_131, %dma_wait3A_132] : memref<1x100xi32, #tpu.memory_space<vmem>> -> memref<1x100xi32, #tpu.memory_space<vmem>>
        %dma_wait3A_134 = tpu.memref_squeeze %dma_wait3A_133 : memref<1x100xi32, #tpu.memory_space<vmem>> -> memref<100xi32, #tpu.memory_space<vmem>>
        %dma_wait3A_135 = arith.constant 0 : i32
        %dma_wait3A_136 = arith.constant 0 : i32
        %dma_wait3A_137 = tpu.memref_slice %arg2[%dma_wait3A_135, %dma_wait3A_136] : memref<10240x128xf32, #tpu.memory_space<hbm>> -> memref<10240x128xf32, #tpu.memory_space<hbm>>
        tpu.wait_indirect_dma semaphore(%arg21 : memref<!tpu.dma_semaphore, #tpu.memory_space<semaphore_mem>>) src(%dma_wait3A_137 : memref<10240x128xf32, #tpu.memory_space<hbm>>) dst(%arg9 : memref<100x128xf32, #tpu.memory_space<vmem>>)
        %dma_start3A_138 = arith.constant 0 : i32
        %dma_start3A_139 = arith.constant 0 : i32
        %dma_start3A_140 = tpu.memref_slice %arg15[%dma_start3A_138, %dma_start3A_139] : memref<1x100xi32, #tpu.memory_space<vmem>> -> memref<1x100xi32, #tpu.memory_space<vmem>>
        %dma_start3A_141 = tpu.memref_squeeze %dma_start3A_140 : memref<1x100xi32, #tpu.memory_space<vmem>> -> memref<100xi32, #tpu.memory_space<vmem>>
        %dma_start3A_142 = arith.constant 0 : i32
        %dma_start3A_143 = arith.constant 0 : i32
        %dma_start3A_144 = tpu.memref_slice %arg7[%dma_start3A_142, %dma_start3A_143] : memref<10240x128xf32, #tpu.memory_space<vmem_shared>> -> memref<10240x128xf32, #tpu.memory_space<vmem_shared>>
        tpu.enqueue_indirect_dma source(%arg9 : memref<100x128xf32, #tpu.memory_space<vmem>>) target(%dma_start3A_144 : memref<10240x128xf32, #tpu.memory_space<vmem_shared>>) offsets(%dma_start3A_141 : memref<100xi32, #tpu.memory_space<vmem>>) semaphore(%arg24 : memref<!tpu.dma_semaphore, #tpu.memory_space<semaphore_mem>>) {add = true}
      } else {
      }
      %scan3A_130 = arith.constant 0 : i32
      scf.yield %scan3A_130 : i32
    }
    %scan3A_27 = arith.constant 34 : i32
    %dma_wait3A = arith.constant 0 : i32
    %dma_wait3A_28 = arith.constant 0 : i32
    %dma_wait3A_29 = tpu.memref_slice %arg14[%dma_wait3A, %dma_wait3A_28] : memref<1x100xi32, #tpu.memory_space<vmem>> -> memref<1x100xi32, #tpu.memory_space<vmem>>
    %dma_wait3A_30 = tpu.memref_squeeze %dma_wait3A_29 : memref<1x100xi32, #tpu.memory_space<vmem>> -> memref<100xi32, #tpu.memory_space<vmem>>
    %dma_wait3A_31 = arith.constant 0 : i32
    %dma_wait3A_32 = arith.constant 0 : i32
    %dma_wait3A_33 = tpu.memref_slice %arg7[%dma_wait3A_31, %dma_wait3A_32] : memref<10240x128xf32, #tpu.memory_space<vmem_shared>> -> memref<10240x128xf32, #tpu.memory_space<vmem_shared>>
    tpu.wait_indirect_dma semaphore(%arg23 : memref<!tpu.dma_semaphore, #tpu.memory_space<semaphore_mem>>) src(%arg8 : memref<100x128xf32, #tpu.memory_space<vmem>>) dst(%dma_wait3A_33 : memref<10240x128xf32, #tpu.memory_space<vmem_shared>>)
    %dma_wait3A_34 = arith.constant 0 : i32
    %dma_wait3A_35 = arith.constant 0 : i32
    %dma_wait3A_36 = tpu.memref_slice %arg15[%dma_wait3A_34, %dma_wait3A_35] : memref<1x100xi32, #tpu.memory_space<vmem>> -> memref<1x100xi32, #tpu.memory_space<vmem>>
    %dma_wait3A_37 = tpu.memref_squeeze %dma_wait3A_36 : memref<1x100xi32, #tpu.memory_space<vmem>> -> memref<100xi32, #tpu.memory_space<vmem>>
    %dma_wait3A_38 = arith.constant 0 : i32
    %dma_wait3A_39 = arith.constant 0 : i32
    %dma_wait3A_40 = tpu.memref_slice %arg7[%dma_wait3A_38, %dma_wait3A_39] : memref<10240x128xf32, #tpu.memory_space<vmem_shared>> -> memref<10240x128xf32, #tpu.memory_space<vmem_shared>>
    tpu.wait_indirect_dma semaphore(%arg24 : memref<!tpu.dma_semaphore, #tpu.memory_space<semaphore_mem>>) src(%arg9 : memref<100x128xf32, #tpu.memory_space<vmem>>) dst(%dma_wait3A_40 : memref<10240x128xf32, #tpu.memory_space<vmem_shared>>)
    %dma_wait3A_41 = arith.constant 0 : i32
    %dma_wait3A_42 = arith.constant 0 : i32
    %dma_wait3A_43 = tpu.memref_slice %arg16[%dma_wait3A_41, %dma_wait3A_42] : memref<1x100xi32, #tpu.memory_space<vmem>> -> memref<1x100xi32, #tpu.memory_space<vmem>>
    %dma_wait3A_44 = tpu.memref_squeeze %dma_wait3A_43 : memref<1x100xi32, #tpu.memory_space<vmem>> -> memref<100xi32, #tpu.memory_space<vmem>>
    %dma_wait3A_45 = arith.constant 0 : i32
    %dma_wait3A_46 = arith.constant 0 : i32
    %dma_wait3A_47 = tpu.memref_slice %arg7[%dma_wait3A_45, %dma_wait3A_46] : memref<10240x128xf32, #tpu.memory_space<vmem_shared>> -> memref<10240x128xf32, #tpu.memory_space<vmem_shared>>
    tpu.wait_indirect_dma semaphore(%arg25 : memref<!tpu.dma_semaphore, #tpu.memory_space<semaphore_mem>>) src(%arg10 : memref<100x128xf32, #tpu.memory_space<vmem>>) dst(%dma_wait3A_47 : memref<10240x128xf32, #tpu.memory_space<vmem_shared>>)
    %barrier3A_48 = arith.constant 0 : index
    tpu.barrier barrier_id(%barrier3A_48)
    %mul3A_49 = arith.constant 640 : i32
    %mul3A_50 = arith.muli %arg1, %mul3A_49 : i32
    %mul3A_51 = arith.constant 10240 : i32
    %mul3A_52 = arith.muli %arg0, %mul3A_51 : i32
    %mul3A_53 = arith.constant 640 : i32
    %mul3A_54 = arith.muli %arg1, %mul3A_53 : i32
    %add3A_55 = arith.addi %mul3A_52, %mul3A_54 : i32
    "tpu.region"() ({
      %run_scoped3A = tpu.sem_alloc : memref<!tpu.dma_semaphore, #tpu.memory_space<semaphore_mem>>
      %dma_start3A_56 = arith.constant 0 : i32
      %dma_start3A_57 = tpu.memref_slice %arg6[%add3A_55, %dma_start3A_56] : memref<20480x128xf32, #tpu.memory_space<hbm>> -> memref<640x128xf32, #tpu.memory_space<hbm>>
      %dma_start3A_58 = arith.constant 0 : i32
      %dma_start3A_59 = tpu.memref_slice %arg7[%mul3A_50, %dma_start3A_58] : memref<10240x128xf32, #tpu.memory_space<vmem_shared>> -> memref<640x128xf32, #tpu.memory_space<vmem_shared>>
      tpu.enqueue_dma source(%dma_start3A_59 : memref<640x128xf32, #tpu.memory_space<vmem_shared>>) target(%dma_start3A_57 : memref<640x128xf32, #tpu.memory_space<hbm>>) target_semaphore(%run_scoped3A : memref<!tpu.dma_semaphore, #tpu.memory_space<semaphore_mem>>)
      %dma_wait3A_60 = arith.constant 0 : i32
      %dma_wait3A_61 = tpu.memref_slice %arg6[%add3A_55, %dma_wait3A_60] : memref<20480x128xf32, #tpu.memory_space<hbm>> -> memref<640x128xf32, #tpu.memory_space<hbm>>
      %dma_wait3A_62 = arith.constant 0 : i32
      %dma_wait3A_63 = tpu.memref_slice %arg7[%mul3A_50, %dma_wait3A_62] : memref<10240x128xf32, #tpu.memory_space<vmem_shared>> -> memref<640x128xf32, #tpu.memory_space<vmem_shared>>
      tpu.wait_dma2 semaphore(%run_scoped3A : memref<!tpu.dma_semaphore, #tpu.memory_space<semaphore_mem>>) src(%dma_wait3A_63 : memref<640x128xf32, #tpu.memory_space<vmem_shared>>) dst(%dma_wait3A_61 : memref<640x128xf32, #tpu.memory_space<hbm>>)
      tpu.yield
    }) : () -> ()
    return
  }
}

module attributes {stable_mosaic.version = 14 : i64} {
  func.func @body(%arg0: i32, %arg1: memref<1280x128xf32, #tpu.memory_space<vmem>>, %arg2: memref<128x128xf32, #tpu.memory_space<vmem>>, %arg3: memref<1x128xf32, #tpu.memory_space<vmem>>, %arg4: memref<128x128xf32, #tpu.memory_space<vmem>>, %arg5: memref<1280x128xf32, #tpu.memory_space<vmem>>) attributes {dimension_semantics = [#tpu.dimension_semantics<arbitrary>], iteration_bounds = array<i64: 8>, scalar_prefetch = 0 : i64, scratch_operands = 0 : i64, tpu.core_type = #tpu.core_type<tc>, window_params = [{transform_indices = @transform_0, window_bounds = array<i64: 1280, 128>}, {pipeline_mode = #tpu.pipeline_mode<synchronous>, transform_indices = @transform_1, window_bounds = array<i64: 128, 128>}, {pipeline_mode = #tpu.pipeline_mode<synchronous>, transform_indices = @transform_2, window_bounds = array<i64: 1, 128>}, {pipeline_mode = #tpu.pipeline_mode<synchronous>, transform_indices = @transform_3, window_bounds = array<i64: 128, 128>}, {transform_indices = @transform_4, window_bounds = array<i64: 1280, 128>}]} {
    %get3A = arith.constant 0 : index
    %get3A_0 = arith.constant 0 : index
    %get3A_1 = vector.load %arg1[%get3A, %get3A_0] : memref<1280x128xf32, #tpu.memory_space<vmem>>, vector<1280x128xf32>
    %get3A_2 = arith.constant 0 : index
    %get3A_3 = arith.constant 0 : index
    %get3A_4 = vector.load %arg2[%get3A_2, %get3A_3] : memref<128x128xf32, #tpu.memory_space<vmem>>, vector<128x128xf32>
    %dot_general3A = arith.constant dense<0.000000e+00> : vector<1280x128xf32>
    %dot_general3A_5 = tpu.matmul %get3A_1, %get3A_4, %dot_general3A {dimension_numbers = #tpu.dot_dimension_numbers<[1], [0], [0], [1], [0, 0, 1, 1], [], []>, transpose_lhs_hint = false} : vector<1280x128xf32>, vector<128x128xf32>, vector<1280x128xf32> -> vector<1280x128xf32>
    %get3A_6 = arith.constant 0 : index
    %get3A_7 = arith.constant 0 : index
    %get3A_8 = vector.load %arg3[%get3A_6, %get3A_7] : memref<1x128xf32, #tpu.memory_space<vmem>>, vector<1x128xf32>
    %add3A = vector.broadcast %get3A_8 : vector<1x128xf32> to vector<1280x128xf32>
    %add3A_9 = arith.addf %dot_general3A_5, %add3A : vector<1280x128xf32>
    %get3A_10 = arith.constant 0 : index
    %get3A_11 = arith.constant 0 : index
    %get3A_12 = vector.load %arg4[%get3A_10, %get3A_11] : memref<128x128xf32, #tpu.memory_space<vmem>>, vector<128x128xf32>
    %dot_general3A_13 = arith.constant dense<0.000000e+00> : vector<1280x128xf32>
    %dot_general3A_14 = tpu.matmul %add3A_9, %get3A_12, %dot_general3A_13 {dimension_numbers = #tpu.dot_dimension_numbers<[1], [0], [0], [1], [0, 0, 1, 1], [], []>, transpose_lhs_hint = false} : vector<1280x128xf32>, vector<128x128xf32>, vector<1280x128xf32> -> vector<1280x128xf32>
    %swap3A = arith.constant 0 : index
    %swap3A_15 = arith.constant 0 : index
    %swap3A_16 = vector.load %arg5[%swap3A, %swap3A_15] : memref<1280x128xf32, #tpu.memory_space<vmem>>, vector<1280x128xf32>
    tpu.vector_store %arg5[%swap3A, %swap3A_15], %dot_general3A_14 {strides = array<i32>} : memref<1280x128xf32, #tpu.memory_space<vmem>>, vector<1280x128xf32>,
    return
  }
  func.func @transform_0(%arg0: i32) -> (i32, i32) {
    %c0_i32 = arith.constant 0 : i32
    %c0_i32_0 = arith.constant 0 : i32
    return %arg0, %c0_i32 : i32, i32
  }
  func.func @transform_1(%arg0: i32) -> (i32, i32) {
    %c0_i32 = arith.constant 0 : i32
    %c0_i32_0 = arith.constant 0 : i32
    %c0_i32_1 = arith.constant 0 : i32
    return %c0_i32, %c0_i32_0 : i32, i32
  }
  func.func @transform_2(%arg0: i32) -> (i32, i32) {
    %c0_i32 = arith.constant 0 : i32
    %c0_i32_0 = arith.constant 0 : i32
    %c0_i32_1 = arith.constant 0 : i32
    return %c0_i32, %c0_i32_0 : i32, i32
  }
  func.func @transform_3(%arg0: i32) -> (i32, i32) {
    %c0_i32 = arith.constant 0 : i32
    %c0_i32_0 = arith.constant 0 : i32
    %c0_i32_1 = arith.constant 0 : i32
    return %c0_i32, %c0_i32_0 : i32, i32
  }
  func.func @transform_4(%arg0: i32) -> (i32, i32) {
    %c0_i32 = arith.constant 0 : i32
    %c0_i32_0 = arith.constant 0 : i32
    return %arg0, %c0_i32 : i32, i32
  }
}

module attributes {stable_mosaic.version = 14 : i64} {
  func.func @body(%arg0: i32, %arg1: memref<5120x128xf32, #tpu.memory_space<vmem>>, %arg2: memref<2x5120xf32, #tpu.memory_space<vmem>>, %arg3: memref<5120x128xf32, #tpu.memory_space<vmem>>, %arg4: memref<5120x1xf32, #tpu.memory_space<vmem>>) attributes {dimension_semantics = [#tpu.dimension_semantics<arbitrary>], iteration_bounds = array<i64: 2>, scalar_prefetch = 0 : i64, scratch_operands = 0 : i64, tpu.core_type = #tpu.core_type<tc>, window_params = [{transform_indices = @transform_0, window_bounds = array<i64: 5120, 128>}, {transform_indices = @transform_1, window_bounds = array<i64: 2, 5120>}, {transform_indices = @transform_2, window_bounds = array<i64: 5120, 128>}, {transform_indices = @transform_3, window_bounds = array<i64: 5120, 1>}]} {
    %broadcast_in_dim3A = arith.constant 1.000000e+00 : f32
    %broadcast_in_dim3A_0 = vector.broadcast %broadcast_in_dim3A : f32 to vector<2x1xf32>
    %get3A = arith.constant 0 : index
    %get3A_1 = arith.constant 0 : index
    %get3A_2 = vector.load %arg2[%get3A, %get3A_1] : memref<2x5120xf32, #tpu.memory_space<vmem>>, vector<2x5120xf32>
    %dot_general3A = arith.constant dense<0.000000e+00> : vector<5120x1xf32>
    %dot_general3A_3 = tpu.matmul %get3A_2, %broadcast_in_dim3A_0, %dot_general3A {dimension_numbers = #tpu.dot_dimension_numbers<[0], [0], [1], [1], [0, 1, 1, 1], [], []>, transpose_lhs_hint = false} : vector<2x5120xf32>, vector<2x1xf32>, vector<5120x1xf32> -> vector<5120x1xf32>
    %add3A = arith.constant 1.000000e+00 : f32
    %add3A_4 = vector.broadcast %add3A : f32 to vector<5120x1xf32>
    %add3A_5 = arith.addf %dot_general3A_3, %add3A_4 : vector<5120x1xf32>
    %sqrt3A = math.sqrt %add3A_5 : vector<5120x1xf32>
    %div3A = arith.constant 1.000000e+00 : f32
    %div3A_6 = vector.broadcast %div3A : f32 to vector<5120x1xf32>
    %div3A_7 = arith.divf %div3A_6, %sqrt3A : vector<5120x1xf32>
    %get3A_8 = arith.constant 0 : index
    %get3A_9 = arith.constant 0 : index
    %get3A_10 = vector.load %arg1[%get3A_8, %get3A_9] : memref<5120x128xf32, #tpu.memory_space<vmem>>, vector<5120x128xf32>
    %mul3A = vector.broadcast %div3A_7 : vector<5120x1xf32> to vector<5120x128xf32>
    %mul3A_11 = arith.mulf %get3A_10, %mul3A : vector<5120x128xf32>
    %swap3A = arith.constant 0 : index
    %swap3A_12 = arith.constant 0 : index
    %swap3A_13 = vector.load %arg3[%swap3A, %swap3A_12] : memref<5120x128xf32, #tpu.memory_space<vmem>>, vector<5120x128xf32>
    tpu.vector_store %arg3[%swap3A, %swap3A_12], %mul3A_11 {strides = array<i32>} : memref<5120x128xf32, #tpu.memory_space<vmem>>, vector<5120x128xf32>,
    %swap3A_14 = arith.constant 0 : index
    %swap3A_15 = arith.constant 0 : index
    %swap3A_16 = vector.load %arg4[%swap3A_14, %swap3A_15] : memref<5120x1xf32, #tpu.memory_space<vmem>>, vector<5120x1xf32>
    tpu.vector_store %arg4[%swap3A_14, %swap3A_15], %div3A_7 {strides = array<i32>} : memref<5120x1xf32, #tpu.memory_space<vmem>>, vector<5120x1xf32>,
    return
  }
  func.func @transform_0(%arg0: i32) -> (i32, i32) {
    %c0_i32 = arith.constant 0 : i32
    %c0_i32_0 = arith.constant 0 : i32
    return %arg0, %c0_i32 : i32, i32
  }
  func.func @transform_1(%arg0: i32) -> (i32, i32) {
    %c0_i32 = arith.constant 0 : i32
    %c0_i32_0 = arith.constant 0 : i32
    return %c0_i32, %arg0 : i32, i32
  }
  func.func @transform_2(%arg0: i32) -> (i32, i32) {
    %c0_i32 = arith.constant 0 : i32
    %c0_i32_0 = arith.constant 0 : i32
    return %arg0, %c0_i32 : i32, i32
  }
  func.func @transform_3(%arg0: i32) -> (i32, i32) {
    %c0_i32 = arith.constant 0 : i32
    %c0_i32_0 = arith.constant 0 : i32
    return %arg0, %c0_i32 : i32, i32
  }
}

module attributes {stable_mosaic.version = 14 : i64} {
  func.func @body(%arg0: i32, %arg1: memref<2x25x100x128xf32, #tpu.memory_space<vmem>>, %arg2: memref<25x100x128xf32, #tpu.memory_space<vmem>>, %arg3: memref<25x100x1xf32, #tpu.memory_space<vmem>>, %arg4: memref<1x128xf32, #tpu.memory_space<vmem>>, %arg5: memref<128x128xf32, #tpu.memory_space<vmem>>, %arg6: memref<1x128xf32, #tpu.memory_space<vmem>>, %arg7: memref<128x128xf32, #tpu.memory_space<vmem>>, %arg8: memref<1x128xf32, #tpu.memory_space<vmem>>, %arg9: memref<128x128xf32, #tpu.memory_space<vmem>>, %arg10: memref<1x128xf32, #tpu.memory_space<vmem>>, %arg11: memref<128x128xf32, #tpu.memory_space<vmem>>, %arg12: memref<1x128xf32, #tpu.memory_space<vmem>>, %arg13: memref<128x128xf32, #tpu.memory_space<vmem>>, %arg14: memref<1x128xf32, #tpu.memory_space<vmem>>, %arg15: memref<128x6xf32, #tpu.memory_space<vmem>>, %arg16: memref<1x6xf32, #tpu.memory_space<vmem>>, %arg17: memref<25x100x32xf32, #tpu.memory_space<vmem>>, %arg18: memref<1x25x6xf32, #tpu.memory_space<vmem>>) attributes {dimension_semantics = [#tpu.dimension_semantics<arbitrary>], iteration_bounds = array<i64: 4>, scalar_prefetch = 0 : i64, scratch_operands = 0 : i64, tpu.core_type = #tpu.core_type<tc>, window_params = [{transform_indices = @transform_0, window_bounds = array<i64: 2, 25, 100, 128>}, {transform_indices = @transform_1, window_bounds = array<i64: 25, 100, 128>}, {transform_indices = @transform_2, window_bounds = array<i64: 25, 100, 1>}, {pipeline_mode = #tpu.pipeline_mode<synchronous>, transform_indices = @transform_3, window_bounds = array<i64: 1, 128>}, {pipeline_mode = #tpu.pipeline_mode<synchronous>, transform_indices = @transform_4, window_bounds = array<i64: 128, 128>}, {pipeline_mode = #tpu.pipeline_mode<synchronous>, transform_indices = @transform_5, window_bounds = array<i64: 1, 128>}, {pipeline_mode = #tpu.pipeline_mode<synchronous>, transform_indices = @transform_6, window_bounds = array<i64: 128, 128>}, {pipeline_mode = #tpu.pipeline_mode<synchronous>, transform_indices = @transform_7, window_bounds = array<i64: 1, 128>}, {pipeline_mode = #tpu.pipeline_mode<synchronous>, transform_indices = @transform_8, window_bounds = array<i64: 128, 128>}, {pipeline_mode = #tpu.pipeline_mode<synchronous>, transform_indices = @transform_9, window_bounds = array<i64: 1, 128>}, {pipeline_mode = #tpu.pipeline_mode<synchronous>, transform_indices = @transform_10, window_bounds = array<i64: 128, 128>}, {pipeline_mode = #tpu.pipeline_mode<synchronous>, transform_indices = @transform_11, window_bounds = array<i64: 1, 128>}, {pipeline_mode = #tpu.pipeline_mode<synchronous>, transform_indices = @transform_12, window_bounds = array<i64: 128, 128>}, {pipeline_mode = #tpu.pipeline_mode<synchronous>, transform_indices = @transform_13, window_bounds = array<i64: 1, 128>}, {pipeline_mode = #tpu.pipeline_mode<synchronous>, transform_indices = @transform_14, window_bounds = array<i64: 128, 6>}, {pipeline_mode = #tpu.pipeline_mode<synchronous>, transform_indices = @transform_15, window_bounds = array<i64: 1, 6>}, {transform_indices = @transform_16, window_bounds = array<i64: 25, 100, 32>}, {transform_indices = @transform_17, window_bounds = array<i64: 1, 25, 6>}]} {
    %get3A = arith.constant 0 : index
    %get3A_0 = arith.constant 0 : index
    %get3A_1 = arith.constant 0 : index
    %get3A_2 = arith.constant 0 : index
    %get3A_3 = vector.load %arg1[%get3A, %get3A_0, %get3A_1, %get3A_2] : memref<2x25x100x128xf32, #tpu.memory_space<vmem>>, vector<1x25x100x128xf32>
    %get3A_4 = vector.shape_cast %get3A_3 : vector<1x25x100x128xf32> to vector<25x100x128xf32>
    %get3A_5 = arith.constant 1 : index
    %get3A_6 = arith.constant 0 : index
    %get3A_7 = arith.constant 0 : index
    %get3A_8 = arith.constant 0 : index
    %get3A_9 = vector.load %arg1[%get3A_5, %get3A_6, %get3A_7, %get3A_8] : memref<2x25x100x128xf32, #tpu.memory_space<vmem>>, vector<1x25x100x128xf32>
    %get3A_10 = vector.shape_cast %get3A_9 : vector<1x25x100x128xf32> to vector<25x100x128xf32>
    %add3A = arith.addf %get3A_4, %get3A_10 : vector<25x100x128xf32>
    %get3A_11 = arith.constant 0 : index
    %get3A_12 = arith.constant 0 : index
    %get3A_13 = arith.constant 0 : index
    %get3A_14 = vector.load %arg2[%get3A_11, %get3A_12, %get3A_13] : memref<25x100x128xf32, #tpu.memory_space<vmem>>, vector<25x100x128xf32>
    %add3A_15 = arith.addf %add3A, %get3A_14 : vector<25x100x128xf32>
    %get3A_16 = arith.constant 0 : index
    %get3A_17 = arith.constant 0 : index
    %get3A_18 = arith.constant 0 : index
    %get3A_19 = vector.load %arg3[%get3A_16, %get3A_17, %get3A_18] : memref<25x100x1xf32, #tpu.memory_space<vmem>>, vector<25x100x1xf32>
    %mul3A = vector.broadcast %get3A_19 : vector<25x100x1xf32> to vector<25x100x128xf32>
    %mul3A_20 = arith.mulf %mul3A, %add3A_15 : vector<25x100x128xf32>
    %get3A_21 = arith.constant 0 : index
    %get3A_22 = arith.constant 0 : index
    %get3A_23 = vector.load %arg4[%get3A_21, %get3A_22] : memref<1x128xf32, #tpu.memory_space<vmem>>, vector<1x128xf32>
    %reshape3A = vector.shape_cast %get3A_23 : vector<1x128xf32> to vector<1x1x128xf32>
    %add3A_24 = vector.broadcast %reshape3A : vector<1x1x128xf32> to vector<25x100x128xf32>
    %add3A_25 = arith.addf %mul3A_20, %add3A_24 : vector<25x100x128xf32>
    %max3A = arith.constant 0.000000e+00 : f32
    %max3A_26 = vector.broadcast %max3A : f32 to vector<25x100x128xf32>
    %max3A_27 = arith.maximumf %add3A_25, %max3A_26 : vector<25x100x128xf32>
    %reshape3A_28 = vector.shape_cast %max3A_27 : vector<25x100x128xf32> to vector<2500x128xf32>
    %get3A_29 = arith.constant 0 : index
    %get3A_30 = arith.constant 0 : index
    %get3A_31 = vector.load %arg5[%get3A_29, %get3A_30] : memref<128x128xf32, #tpu.memory_space<vmem>>, vector<128x128xf32>
    %dot_general3A = arith.constant dense<0.000000e+00> : vector<2500x128xf32>
    %dot_general3A_32 = tpu.matmul %reshape3A_28, %get3A_31, %dot_general3A {dimension_numbers = #tpu.dot_dimension_numbers<[1], [0], [0], [1], [0, 0, 1, 1], [], []>, transpose_lhs_hint = false} : vector<2500x128xf32>, vector<128x128xf32>, vector<2500x128xf32> -> vector<2500x128xf32>
    %get3A_33 = arith.constant 0 : index
    %get3A_34 = arith.constant 0 : index
    %get3A_35 = vector.load %arg6[%get3A_33, %get3A_34] : memref<1x128xf32, #tpu.memory_space<vmem>>, vector<1x128xf32>
    %add3A_36 = vector.broadcast %get3A_35 : vector<1x128xf32> to vector<2500x128xf32>
    %add3A_37 = arith.addf %dot_general3A_32, %add3A_36 : vector<2500x128xf32>
    %max3A_38 = arith.constant 0.000000e+00 : f32
    %max3A_39 = vector.broadcast %max3A_38 : f32 to vector<2500x128xf32>
    %max3A_40 = arith.maximumf %add3A_37, %max3A_39 : vector<2500x128xf32>
    %get3A_41 = arith.constant 0 : index
    %get3A_42 = arith.constant 0 : index
    %get3A_43 = vector.load %arg7[%get3A_41, %get3A_42] : memref<128x128xf32, #tpu.memory_space<vmem>>, vector<128x128xf32>
    %dot_general3A_44 = arith.constant dense<0.000000e+00> : vector<2500x128xf32>
    %dot_general3A_45 = tpu.matmul %max3A_40, %get3A_43, %dot_general3A_44 {dimension_numbers = #tpu.dot_dimension_numbers<[1], [0], [0], [1], [0, 0, 1, 1], [], []>, transpose_lhs_hint = false} : vector<2500x128xf32>, vector<128x128xf32>, vector<2500x128xf32> -> vector<2500x128xf32>
    %get3A_46 = arith.constant 0 : index
    %get3A_47 = arith.constant 0 : index
    %get3A_48 = vector.load %arg8[%get3A_46, %get3A_47] : memref<1x128xf32, #tpu.memory_space<vmem>>, vector<1x128xf32>
    %add3A_49 = vector.broadcast %get3A_48 : vector<1x128xf32> to vector<2500x128xf32>
    %add3A_50 = arith.addf %dot_general3A_45, %add3A_49 : vector<2500x128xf32>
    %reshape3A_51 = vector.shape_cast %add3A_50 : vector<2500x128xf32> to vector<25x100x128xf32>
    %reduce_sum3A = arith.constant dense<0.000000e+00> : vector<25x128xf32>
    %reduce_sum3A_52 = vector.multi_reduction <add>, %reshape3A_51, %reduce_sum3A [1] : vector<25x100x128xf32> to vector<25x128xf32>
    %broadcast_in_dim3A = vector.shape_cast %reduce_sum3A_52 : vector<25x128xf32> to vector<25x1x128xf32>
    %div3A = arith.constant 1.000000e+02 : f32
    %div3A_53 = vector.broadcast %div3A : f32 to vector<25x1x128xf32>
    %div3A_54 = arith.divf %broadcast_in_dim3A, %div3A_53 : vector<25x1x128xf32>
    %mul3A_55 = arith.mulf %reshape3A_51, %reshape3A_51 : vector<25x100x128xf32>
    %reduce_sum3A_56 = arith.constant dense<0.000000e+00> : vector<25x100xf32>
    %reduce_sum3A_57 = vector.multi_reduction <add>, %mul3A_55, %reduce_sum3A_56 [2] : vector<25x100x128xf32> to vector<25x100xf32>
    %broadcast_in_dim3A_58 = vector.shape_cast %reduce_sum3A_57 : vector<25x100xf32> to vector<25x100x1xf32>
    %sqrt3A = math.sqrt %broadcast_in_dim3A_58 : vector<25x100x1xf32>
    %max3A_59 = arith.constant 9.99999993E-9 : f32
    %max3A_60 = vector.broadcast %max3A_59 : f32 to vector<25x100x1xf32>
    %max3A_61 = arith.maximumf %sqrt3A, %max3A_60 : vector<25x100x1xf32>
    %mul3A_62 = arith.mulf %div3A_54, %div3A_54 : vector<25x1x128xf32>
    %reduce_sum3A_63 = arith.constant dense<0.000000e+00> : vector<25x1xf32>
    %reduce_sum3A_64 = vector.multi_reduction <add>, %mul3A_62, %reduce_sum3A_63 [2] : vector<25x1x128xf32> to vector<25x1xf32>
    %broadcast_in_dim3A_65 = vector.shape_cast %reduce_sum3A_64 : vector<25x1xf32> to vector<25x1x1xf32>
    %sqrt3A_66 = math.sqrt %broadcast_in_dim3A_65 : vector<25x1x1xf32>
    %max3A_67 = arith.constant 9.99999993E-9 : f32
    %max3A_68 = vector.broadcast %max3A_67 : f32 to vector<25x1x1xf32>
    %max3A_69 = arith.maximumf %sqrt3A_66, %max3A_68 : vector<25x1x1xf32>
    %mul3A_70 = vector.broadcast %div3A_54 : vector<25x1x128xf32> to vector<25x100x128xf32>
    %mul3A_71 = arith.mulf %reshape3A_51, %mul3A_70 : vector<25x100x128xf32>
    %reduce_sum3A_72 = arith.constant dense<0.000000e+00> : vector<25x100xf32>
    %reduce_sum3A_73 = vector.multi_reduction <add>, %mul3A_71, %reduce_sum3A_72 [2] : vector<25x100x128xf32> to vector<25x100xf32>
    %broadcast_in_dim3A_74 = vector.shape_cast %reduce_sum3A_73 : vector<25x100xf32> to vector<25x100x1xf32>
    %mul3A_75 = vector.broadcast %max3A_69 : vector<25x1x1xf32> to vector<25x100x1xf32>
    %mul3A_76 = arith.mulf %max3A_61, %mul3A_75 : vector<25x100x1xf32>
    %div3A_77 = arith.divf %broadcast_in_dim3A_74, %mul3A_76 : vector<25x100x1xf32>
    %add3A_78 = arith.constant 1.000000e+00 : f32
    %add3A_79 = vector.broadcast %add3A_78 : f32 to vector<25x100x1xf32>
    %add3A_80 = arith.addf %add3A_79, %div3A_77 : vector<25x100x1xf32>
    %mul3A_81 = arith.constant 5.000000e-01 : f32
    %mul3A_82 = vector.broadcast %mul3A_81 : f32 to vector<25x100x1xf32>
    %mul3A_83 = arith.mulf %add3A_80, %mul3A_82 : vector<25x100x1xf32>
    %get3A_84 = arith.constant 0 : index
    %get3A_85 = arith.constant 0 : index
    %get3A_86 = arith.constant 0 : index
    %get3A_87 = vector.load %arg17[%get3A_84, %get3A_85, %get3A_86] : memref<25x100x32xf32, #tpu.memory_space<vmem>>, vector<25x100x32xf32>
    %mul3A_88 = vector.broadcast %mul3A_83 : vector<25x100x1xf32> to vector<25x100x32xf32>
    %mul3A_89 = arith.mulf %get3A_87, %mul3A_88 : vector<25x100x32xf32>
    %reduce_sum3A_90 = arith.constant dense<0.000000e+00> : vector<25x100xf32>
    %reduce_sum3A_91 = vector.multi_reduction <add>, %mul3A_89, %reduce_sum3A_90 [2] : vector<25x100x32xf32> to vector<25x100xf32>
    %broadcast_in_dim3A_92 = vector.shape_cast %reduce_sum3A_91 : vector<25x100xf32> to vector<25x100x1xf32>
    %eq3A = arith.constant 0.000000e+00 : f32
    %eq3A_93 = vector.broadcast %eq3A : f32 to vector<25x100x1xf32>
    %eq3A_94 = arith.cmpf oeq, %broadcast_in_dim3A_92, %eq3A_93 : vector<25x100x1xf32>
    %jit3A = arith.constant 1.000000e+00 : f32
    %broadcast_in_dim3A_95 = vector.broadcast %jit3A : f32 to vector<25x100x1xf32>
    %select_n3A = arith.select %eq3A_94, %broadcast_in_dim3A_95, %broadcast_in_dim3A_92 : vector<25x100x1xi1>, vector<25x100x1xf32>
    %div3A_96 = vector.broadcast %select_n3A : vector<25x100x1xf32> to vector<25x100x32xf32>
    %div3A_97 = arith.divf %mul3A_89, %div3A_96 : vector<25x100x32xf32>
    %dot_general3A_98 = arith.constant dense<0.000000e+00> : vector<25x32x128xf32>
    %dot_general3A_99 = tpu.matmul %div3A_97, %max3A_27, %dot_general3A_98 {dimension_numbers = #tpu.dot_dimension_numbers<[1], [1], [2], [2], [0, 0, 0, 2, 1, 2], [0], [0]>, transpose_lhs_hint = false} : vector<25x100x32xf32>, vector<25x100x128xf32>, vector<25x32x128xf32> -> vector<25x32x128xf32>
    %reshape3A_100 = vector.shape_cast %dot_general3A_99 : vector<25x32x128xf32> to vector<800x128xf32>
    %get3A_101 = arith.constant 0 : index
    %get3A_102 = arith.constant 0 : index
    %get3A_103 = vector.load %arg9[%get3A_101, %get3A_102] : memref<128x128xf32, #tpu.memory_space<vmem>>, vector<128x128xf32>
    %dot_general3A_104 = arith.constant dense<0.000000e+00> : vector<800x128xf32>
    %dot_general3A_105 = tpu.matmul %reshape3A_100, %get3A_103, %dot_general3A_104 {dimension_numbers = #tpu.dot_dimension_numbers<[1], [0], [0], [1], [0, 0, 1, 1], [], []>, transpose_lhs_hint = false} : vector<800x128xf32>, vector<128x128xf32>, vector<800x128xf32> -> vector<800x128xf32>
    %get3A_106 = arith.constant 0 : index
    %get3A_107 = arith.constant 0 : index
    %get3A_108 = vector.load %arg10[%get3A_106, %get3A_107] : memref<1x128xf32, #tpu.memory_space<vmem>>, vector<1x128xf32>
    %add3A_109 = vector.broadcast %get3A_108 : vector<1x128xf32> to vector<800x128xf32>
    %add3A_110 = arith.addf %dot_general3A_105, %add3A_109 : vector<800x128xf32>
    %max3A_111 = arith.constant 0.000000e+00 : f32
    %max3A_112 = vector.broadcast %max3A_111 : f32 to vector<800x128xf32>
    %max3A_113 = arith.maximumf %add3A_110, %max3A_112 : vector<800x128xf32>
    %get3A_114 = arith.constant 0 : index
    %get3A_115 = arith.constant 0 : index
    %get3A_116 = vector.load %arg11[%get3A_114, %get3A_115] : memref<128x128xf32, #tpu.memory_space<vmem>>, vector<128x128xf32>
    %dot_general3A_117 = arith.constant dense<0.000000e+00> : vector<800x128xf32>
    %dot_general3A_118 = tpu.matmul %max3A_113, %get3A_116, %dot_general3A_117 {dimension_numbers = #tpu.dot_dimension_numbers<[1], [0], [0], [1], [0, 0, 1, 1], [], []>, transpose_lhs_hint = false} : vector<800x128xf32>, vector<128x128xf32>, vector<800x128xf32> -> vector<800x128xf32>
    %get3A_119 = arith.constant 0 : index
    %get3A_120 = arith.constant 0 : index
    %get3A_121 = vector.load %arg12[%get3A_119, %get3A_120] : memref<1x128xf32, #tpu.memory_space<vmem>>, vector<1x128xf32>
    %add3A_122 = vector.broadcast %get3A_121 : vector<1x128xf32> to vector<800x128xf32>
    %add3A_123 = arith.addf %dot_general3A_118, %add3A_122 : vector<800x128xf32>
    %reshape3A_124 = vector.shape_cast %add3A_123 : vector<800x128xf32> to vector<25x32x128xf32>
    %reduce_sum3A_125 = arith.constant dense<0.000000e+00> : vector<25x128xf32>
    %reduce_sum3A_126 = vector.multi_reduction <add>, %reshape3A_124, %reduce_sum3A_125 [1] : vector<25x32x128xf32> to vector<25x128xf32>
    %div3A_127 = arith.constant 3.200000e+01 : f32
    %div3A_128 = vector.broadcast %div3A_127 : f32 to vector<25x128xf32>
    %div3A_129 = arith.divf %reduce_sum3A_126, %div3A_128 : vector<25x128xf32>
    %get3A_130 = arith.constant 0 : index
    %get3A_131 = arith.constant 0 : index
    %get3A_132 = vector.load %arg13[%get3A_130, %get3A_131] : memref<128x128xf32, #tpu.memory_space<vmem>>, vector<128x128xf32>
    %dot_general3A_133 = arith.constant dense<0.000000e+00> : vector<25x128xf32>
    %dot_general3A_134 = tpu.matmul %div3A_129, %get3A_132, %dot_general3A_133 {dimension_numbers = #tpu.dot_dimension_numbers<[1], [0], [0], [1], [0, 0, 1, 1], [], []>, transpose_lhs_hint = false} : vector<25x128xf32>, vector<128x128xf32>, vector<25x128xf32> -> vector<25x128xf32>
    %get3A_135 = arith.constant 0 : index
    %get3A_136 = arith.constant 0 : index
    %get3A_137 = vector.load %arg14[%get3A_135, %get3A_136] : memref<1x128xf32, #tpu.memory_space<vmem>>, vector<1x128xf32>
    %add3A_138 = vector.broadcast %get3A_137 : vector<1x128xf32> to vector<25x128xf32>
    %add3A_139 = arith.addf %dot_general3A_134, %add3A_138 : vector<25x128xf32>
    %max3A_140 = arith.constant 0.000000e+00 : f32
    %max3A_141 = vector.broadcast %max3A_140 : f32 to vector<25x128xf32>
    %max3A_142 = arith.maximumf %add3A_139, %max3A_141 : vector<25x128xf32>
    %get3A_143 = arith.constant 0 : index
    %get3A_144 = arith.constant 0 : index
    %get3A_145 = vector.load %arg15[%get3A_143, %get3A_144] : memref<128x6xf32, #tpu.memory_space<vmem>>, vector<128x6xf32>
    %dot_general3A_146 = arith.constant dense<0.000000e+00> : vector<25x6xf32>
    %dot_general3A_147 = tpu.matmul %max3A_142, %get3A_145, %dot_general3A_146 {dimension_numbers = #tpu.dot_dimension_numbers<[1], [0], [0], [1], [0, 0, 1, 1], [], []>, transpose_lhs_hint = false} : vector<25x128xf32>, vector<128x6xf32>, vector<25x6xf32> -> vector<25x6xf32>
    %get3A_148 = arith.constant 0 : index
    %get3A_149 = arith.constant 0 : index
    %get3A_150 = vector.load %arg16[%get3A_148, %get3A_149] : memref<1x6xf32, #tpu.memory_space<vmem>>, vector<1x6xf32>
    %add3A_151 = vector.broadcast %get3A_150 : vector<1x6xf32> to vector<25x6xf32>
    %add3A_152 = arith.addf %dot_general3A_147, %add3A_151 : vector<25x6xf32>
    %swap3A = arith.constant 0 : index
    %swap3A_153 = arith.constant 0 : index
    %swap3A_154 = arith.constant 0 : index
    %swap3A_155 = vector.load %arg18[%swap3A, %swap3A_153, %swap3A_154] : memref<1x25x6xf32, #tpu.memory_space<vmem>>, vector<1x25x6xf32>
    %swap3A_156 = vector.shape_cast %swap3A_155 : vector<1x25x6xf32> to vector<25x6xf32>
    %swap3A_157 = vector.shape_cast %add3A_152 : vector<25x6xf32> to vector<1x25x6xf32>
    tpu.vector_store %arg18[%swap3A, %swap3A_153, %swap3A_154], %swap3A_157 {strides = array<i32>} : memref<1x25x6xf32, #tpu.memory_space<vmem>>, vector<1x25x6xf32>,
    return
  }
  func.func @transform_0(%arg0: i32) -> (i32, i32, i32, i32) {
    %c0_i32 = arith.constant 0 : i32
    %c0_i32_0 = arith.constant 0 : i32
    %c0_i32_1 = arith.constant 0 : i32
    %c0_i32_2 = arith.constant 0 : i32
    return %c0_i32, %arg0, %c0_i32_0, %c0_i32_1 : i32, i32, i32, i32
  }
  func.func @transform_1(%arg0: i32) -> (i32, i32, i32) {
    %c0_i32 = arith.constant 0 : i32
    %c0_i32_0 = arith.constant 0 : i32
    %c0_i32_1 = arith.constant 0 : i32
    return %arg0, %c0_i32, %c0_i32_0 : i32, i32, i32
  }
  func.func @transform_2(%arg0: i32) -> (i32, i32, i32) {
    %c0_i32 = arith.constant 0 : i32
    %c0_i32_0 = arith.constant 0 : i32
    %c0_i32_1 = arith.constant 0 : i32
    return %arg0, %c0_i32, %c0_i32_0 : i32, i32, i32
  }
  func.func @transform_3(%arg0: i32) -> (i32, i32) {
    %c0_i32 = arith.constant 0 : i32
    %c0_i32_0 = arith.constant 0 : i32
    %c0_i32_1 = arith.constant 0 : i32
    return %c0_i32, %c0_i32_0 : i32, i32
  }
  func.func @transform_4(%arg0: i32) -> (i32, i32) {
    %c0_i32 = arith.constant 0 : i32
    %c0_i32_0 = arith.constant 0 : i32
    %c0_i32_1 = arith.constant 0 : i32
    return %c0_i32, %c0_i32_0 : i32, i32
  }
  func.func @transform_5(%arg0: i32) -> (i32, i32) {
    %c0_i32 = arith.constant 0 : i32
    %c0_i32_0 = arith.constant 0 : i32
    %c0_i32_1 = arith.constant 0 : i32
    return %c0_i32, %c0_i32_0 : i32, i32
  }
  func.func @transform_6(%arg0: i32) -> (i32, i32) {
    %c0_i32 = arith.constant 0 : i32
    %c0_i32_0 = arith.constant 0 : i32
    %c0_i32_1 = arith.constant 0 : i32
    return %c0_i32, %c0_i32_0 : i32, i32
  }
  func.func @transform_7(%arg0: i32) -> (i32, i32) {
    %c0_i32 = arith.constant 0 : i32
    %c0_i32_0 = arith.constant 0 : i32
    %c0_i32_1 = arith.constant 0 : i32
    return %c0_i32, %c0_i32_0 : i32, i32
  }
  func.func @transform_8(%arg0: i32) -> (i32, i32) {
    %c0_i32 = arith.constant 0 : i32
    %c0_i32_0 = arith.constant 0 : i32
    %c0_i32_1 = arith.constant 0 : i32
    return %c0_i32, %c0_i32_0 : i32, i32
  }
  func.func @transform_9(%arg0: i32) -> (i32, i32) {
    %c0_i32 = arith.constant 0 : i32
    %c0_i32_0 = arith.constant 0 : i32
    %c0_i32_1 = arith.constant 0 : i32
    return %c0_i32, %c0_i32_0 : i32, i32
  }
  func.func @transform_10(%arg0: i32) -> (i32, i32) {
    %c0_i32 = arith.constant 0 : i32
    %c0_i32_0 = arith.constant 0 : i32
    %c0_i32_1 = arith.constant 0 : i32
    return %c0_i32, %c0_i32_0 : i32, i32
  }
  func.func @transform_11(%arg0: i32) -> (i32, i32) {
    %c0_i32 = arith.constant 0 : i32
    %c0_i32_0 = arith.constant 0 : i32
    %c0_i32_1 = arith.constant 0 : i32
    return %c0_i32, %c0_i32_0 : i32, i32
  }
  func.func @transform_12(%arg0: i32) -> (i32, i32) {
    %c0_i32 = arith.constant 0 : i32
    %c0_i32_0 = arith.constant 0 : i32
    %c0_i32_1 = arith.constant 0 : i32
    return %c0_i32, %c0_i32_0 : i32, i32
  }
  func.func @transform_13(%arg0: i32) -> (i32, i32) {
    %c0_i32 = arith.constant 0 : i32
    %c0_i32_0 = arith.constant 0 : i32
    %c0_i32_1 = arith.constant 0 : i32
    return %c0_i32, %c0_i32_0 : i32, i32
  }
  func.func @transform_14(%arg0: i32) -> (i32, i32) {
    %c0_i32 = arith.constant 0 : i32
    %c0_i32_0 = arith.constant 0 : i32
    %c0_i32_1 = arith.constant 0 : i32
    return %c0_i32, %c0_i32_0 : i32, i32
  }
  func.func @transform_15(%arg0: i32) -> (i32, i32) {
    %c0_i32 = arith.constant 0 : i32
    %c0_i32_0 = arith.constant 0 : i32
    %c0_i32_1 = arith.constant 0 : i32
    return %c0_i32, %c0_i32_0 : i32, i32
  }
  func.func @transform_16(%arg0: i32) -> (i32, i32, i32) {
    %c0_i32 = arith.constant 0 : i32
    %c0_i32_0 = arith.constant 0 : i32
    %c0_i32_1 = arith.constant 0 : i32
    return %arg0, %c0_i32, %c0_i32_0 : i32, i32, i32
  }
  func.func @transform_17(%arg0: i32) -> (i32, i32, i32) {
    %c0_i32 = arith.constant 0 : i32
    %c0_i32_0 = arith.constant 0 : i32
    %c0_i32_1 = arith.constant 0 : i32
    return %arg0, %c0_i32, %c0_i32_0 : i32, i32, i32
  }
}

</mosaic_0001>

<sc_bundles>
// kernel: kernel.10.cloned.1.call-start
scs
__scs_entry_jumppad:
0x0: {  	(pc) =	sbr.rel $0x88, $3  }
0x1: {  	(tag) =	ssettag $0x0;
	lr =	simm.s32 $0x1  }
0x2: {  	[smem:$0x3F8E] =	sst lr;
	_ =	strace $0xD0000000  }
0x3: {  	_ = 	snop  }
0x4: {  	_ = 	snop  }
0x5: {  	_ = 	snop  }
0x6: {  	_ = 	snop  }
0x7: {  	_ = 	snop  }
__scs_overlays_trampoline_lowered:
0x8: {  	[smem:$0x3F9D] =	sst s0  }
0x9: {  	[smem:$0x3F9E] =	sst s1  }
0xa: {  	[smem:$0x3F9F] =	sst s2  }
0xb: {  	[smem:$0x3FA0] =	sst s3  }
0xc: {  	[smem:$0x3FA1] =	sst s4  }
0xd: {  	[smem:$0x3FA2] =	sst s5  }
0xe: {  	[smem:$0x3FA3] =	sst s6  }
0xf: {  	[smem:$0x3FA4] =	sst s7  }
0x10: {  	[smem:$0x3FA5] =	sst s8  }
0x11: {  	[smem:$0x3FA6] =	sst s9;
	s0 =	simm.s32 @!p0 $0x0  }
0x12: {  	s1 =	sld [smem:$0x3F8C];
	s0 =	simm.s32 @p0 $0x1  }
0x13: {  	[smem:$0x3FA7] =	sst s0;
	s0 =	simm.s32 @!p1 $0x0  }
0x14: {  	s2 =	sld [smem:$0x3F8B];
	s0 =	simm.s32 @p1 $0x1  }
0x15: {  	[smem:$0x3FA8] =	sst s0;
	s0 =	simm.s32 @!p2 $0x0  }
0x16: {  	s3 =	sld [smem:$0x3FDB];
	s0 =	simm.s32 @p2 $0x1  }
0x17: {  	s4 =	simm.s32 $0x1BF5;
	[smem:$0x3FAA] =	sst s0  }
0x18: {  	s0 =	sld [smem:$0x3F8D];
	_ =	swait.ge [sflag:s4], $0x0  }
0x19: {  	s7 =	sld [smem:$0x3F8E]  }
0x1a: {  	s8 =	sadd.s32 $0xFFFFE003, lr  }
0x1b: {  	s9 =	sadd.s32 $0xFFFFFEF7, lr;
	s5 =	simm.s32 $0xFFFFFFFF;
	p2 =	slt.u32 s8, $0xFFFFF086  }
0x1c: {  	p1 =	slt.u32 s9, $0xF7A;
	s5 =	simm.s32 @!p2 $0x0  }
0x1d: {  	s5 =	simm.s32 @p1 $0x1;
	p0 =	seq.s32 s7, s2  }
0x1e: {  	s7 =	smul.u32 @!p0 $0xF7A, s2;
	p2 =	seq.s32 @!p0 s5, $0x0  }
0x1f: {  	s9 =	smul.u32 $0xF7A, s1;
	s8 =	simm.s32 @!p0 $0x1BF5;
	p2 =	por !p2, p0  }
0x20: {  	[sflag:s8] =	ssyncset.s32 @!p0 $0xFFFFF086;
	s6 =	sadd.s32 @!p0 s3, s7;
	s7 =	simm.s32 @!p0 $0x108  }
0x21: {  	s3 =	sadd.s32 s3, s9;
	s6 =	sadd.s32 @!p0 $0x88, s6;
	s7 =	simm.s32 @p2 $0x1082  }
0x22: {  	[simem:s7], [sflag:s8] =	dma.local @!p0 [hbm:s6], $0xF7A  }
0x23: {  	s9 =	sor.u32 $0xD0000000, s2;
	s6 =	simm.s32 $0x108;
	_ =	swait.ge @!p0 [sflag:s8], $0x0  }
0x24: {  	s3 =	sadd.s32 $0x88, s3;
	s6 =	simm.s32 @!p1 $0x1082;
	[sflag:s4] =	ssyncset.s32 $0xFFFFF086  }
0x25: {  	[simem:s6], [sflag:s4] =	dma.local [hbm:s3], $0xF7A  }
0x26: {  	[smem:$0x3F8E] =	sst s1;
	(tag) =	ssettag s2;
	_ =	strace s9  }
0x27: {  	s1 =	sld [smem:$0x3F9E]  }
0x28: {  	s2 =	sld [smem:$0x3F9F]  }
0x29: {  	s4 =	sld [smem:$0x3FA1]  }
0x2a: {  	p0 =	seq.s32 s5, $0x0;
	s5 =	sld [smem:$0x3FA2]  }
0x2b: {  	s6 =	sld [smem:$0x3FA3]  }
0x2c: {  	s7 =	sld [smem:$0x3FA4]  }
0x2d: {  	s3 =	simm.s32 $0x108;
	s8 =	sld [smem:$0x3FA5]  }
0x2e: {  	s3 =	simm.s32 @!p0 $0x1082;
	s9 =	sld [smem:$0x3FA6]  }
0x2f: {  	lr =	sadd.s32 s0, s3;
	s0 =	sld [smem:$0x3F9D]  }
0x30: {  	s3 =	sld [smem:$0x3FA0]  }
0x31: {  	[smem:$0x3FA9] =	sst s10  }
0x32: {  	s10 =	sld [smem:$0x3FA7];
	_ =	sdelay $0x3  }
0x33: {  	p0 =	seq.s32 s10, $0x1;
	s10 =	sld [smem:$0x3FA9];
	_ =	sdelay $0x3  }
0x34: {  	[smem:$0x3FA9] =	sst s10  }
0x35: {  	s10 =	sld [smem:$0x3FA8];
	_ =	sdelay $0x3  }
0x36: {  	p1 =	seq.s32 s10, $0x1;
	s10 =	sld [smem:$0x3FA9];
	_ =	sdelay $0x3  }
0x37: {  	[smem:$0x3FA9] =	sst s10  }
0x38: {  	s10 =	sld [smem:$0x3FAA]  }
0x39: {  	_ = 	snop;
	(pc) =	sbr.ind lr, $3  }
0x3a: {  	_ = 	snop  }
0x3b: {  	_ = 	snop  }
0x3c: {  	p2 =	seq.s32 s10, $0x1;
	s10 =	sld [smem:$0x3FA9]  }
0x3d: {  	_ =	shalt  }
0x3e: {  	_ =	shalt  }
0x3f: {  	_ =	shalt  }
0x40: {  	_ =	shalt  }
0x41: {  	_ =	shalt  }
0x42: {  	_ =	shalt  }
0x43: {  	_ =	shalt  }
0x44: {  	_ =	shalt  }
0x45: {  	_ =	shalt  }
0x46: {  	_ =	shalt  }
0x47: {  	_ =	shalt  }
0x48: {  	_ =	shalt  }
0x49: {  	_ =	shalt  }
0x4a: {  	_ =	shalt  }
0x4b: {  	_ =	shalt  }
0x4c: {  	_ =	shalt  }
0x4d: {  	_ =	shalt  }
0x4e: {  	_ =	shalt  }
0x4f: {  	_ =	shalt  }
0x50: {  	_ =	shalt  }
0x51: {  	_ =	shalt  }
0x52: {  	_ =	shalt  }
0x53: {  	_ =	shalt  }
0x54: {  	_ =	shalt  }
0x55: {  	_ =	shalt  }
0x56: {  	_ =	shalt  }
0x57: {  	_ =	shalt  }
0x58: {  	_ =	shalt  }
0x59: {  	_ =	shalt  }
0x5a: {  	_ =	shalt  }
0x5b: {  	_ =	shalt  }
0x5c: {  	_ =	shalt  }
0x5d: {  	_ =	shalt  }
0x5e: {  	_ =	shalt  }
0x5f: {  	_ =	shalt  }
0x60: {  	_ =	shalt  }
0x61: {  	_ =	shalt  }
0x62: {  	_ =	shalt  }
0x63: {  	_ =	shalt  }
0x64: {  	_ =	shalt  }
0x65: {  	_ =	shalt  }
0x66: {  	_ =	shalt  }
0x67: {  	_ =	shalt  }
0x68: {  	_ =	shalt  }
0x69: {  	_ =	shalt  }
0x6a: {  	_ =	shalt  }
0x6b: {  	_ =	shalt  }
0x6c: {  	_ =	shalt  }
0x6d: {  	_ =	shalt  }
0x6e: {  	_ =	shalt  }
0x6f: {  	_ =	shalt  }
0x70: {  	_ =	shalt  }
0x71: {  	_ =	shalt  }
0x72: {  	_ =	shalt  }
0x73: {  	_ =	shalt  }
0x74: {  	_ =	shalt  }
0x75: {  	_ =	shalt  }
0x76: {  	_ =	shalt  }
0x77: {  	_ =	shalt  }
0x78: {  	_ =	shalt  }
0x79: {  	_ =	shalt  }
0x7a: {  	_ =	shalt  }
0x7b: {  	_ =	shalt  }
0x7c: {  	_ =	shalt  }
0x7d: {  	_ =	shalt  }
0x7e: {  	_ =	shalt  }
0x7f: {  	_ =	shalt  }
0x80: {  	_ =	shalt  }
0x81: {  	_ =	shalt  }
0x82: {  	_ =	shalt  }
0x83: {  	_ =	shalt  }
0x84: {  	_ =	shalt  }
0x85: {  	_ =	shalt  }
0x86: {  	_ =	shalt  }
0x87: {  	_ =	shalt  }
.Lfunc_end0:
.L_simem_size_0:
called_computation.1_lowered:
.L_overlay_start_0:
0x88: {  	s2 =	sld [smem:$0x3FD9]  }
0x89: {  	s3 =	sld [smem:$0x3FFE];
	_ =	sdelay $0x1  }
0x8a: {  	s1 =	srdreg.scid  }
0x8b: {  	s0 =	sand.u32 $0x1, s1  }
0x8c: {  	s16 =	sshll.u32 s0, $0xA;
	s2 =	sadd.s32 s3, s2  }
0x8d: {  	s2 =	sadd.s32 s2, s16  }
0x8e: {  	[smem:$0x3FB5] =	sst s2  }
0x8f: {  	_ = 	snop  }
0x90: {  	(tm) =	ssettm $0x1  }
0x91: {  	s17 =	sld [smem:$0x3FFB];
	_ =	sdelay $0x3  }
0x92: {  	_ =	strace s17  }
0x93: {  	s2 =	sld [smem:$0x3FFC];
	_ =	sdelay $0x3  }
0x94: {  	_ =	strace s2  }
0x95: {  	s2 =	sld [smem:$0x3FFD];
	_ =	sdelay $0x3  }
0x96: {  	_ =	strace s2  }
0x97: {  	_ =	strace $0x8FFFFFFF  }
0x98: {  	s18 =	sld [smem:$0x3FDB];
	_ =	sdelay $0x1  }
0x99: {  	s19 =	simm.s32 $_scs_section_size  }
0x9a: {  	s4 =	simm.s32 $_size__tile_overlayer_lowered;
	s5 =	simm.s32 $_tile_overlayer_lowered  }
0x9b: {  	s22 =	simm.s32 $0x1BFF;
	s21 =	sshll.u32 s5, $0x1;
	s2 =	sadd.s32 s19, s18  }
0x9c: {  	s6 =	simm.s32 $0x0;
	s20 =	sshll.u32 s4, $0x1;
	s4 =	sadd.s32 s21, s2  }
0x9d: {  	[timem:s6], [sflag:s22] =	dma.local [hbm:s4], s20  }
0x9e: {  	_ =	swait.ge [sflag:s22], s20  }
0x9f: {  	s3 =	ssub.s32 $0x0, s20;
	[sflag:s22] =	ssyncset.done $0x0  }
0xa0: {  	[sflag:s22] =	ssyncadd.s32 s3;
	_ =	sdelay $0x1  }
0xa1: {  	s23 =	simm.s32 $0x1B8B  }
0xa2: {  	_ =	swait.ge [sflag:s23], $0x1  }
0xa3: {  	[sflag:s23] =	ssyncset.done $0x0  }
0xa4: {  	s25 =	simm.s32 $0x1B8E;
	s24 =	sld [smem:$0x3FFE];
	[sflag:s23] =	ssyncadd.s32 $0xFFFFFFFF  }
0xa5: {  	s26 =	simm.s32 $execute0_lowered;
	[smem:$0x3FD2] =	sst s25  }
0xa6: {  	s4 =	sshll.u32 s26, $0x1;
	_ =	strace $0x80000049;
	[dreg:$0x1] =	wrdreg $0xFFFFFFFF  }
0xa7: {  	s28 =	simm.s32 $_size_execute0_lowered;
	s2 =	sadd.s32 s2, s4;
	[dreg:$0x0] =	wrdreg $0x0  }
0xa8: {  	s4 =	sshll.u32 s28, $0x1;
	[dreg:$0x2] =	wrdreg s2  }
0xa9: {  	[dreg:$0x3] =	wrdreg s4  }
0xaa: {  	[dreg:$0x4] =	wrdreg $0xC0  }
0xab: {  	_ =	task [dreg:s6], $0x5FFFF  }
0xac: {  	[dreg:$0x1] =	wrdreg $0xFFFFFFFF  }
0xad: {  	[dreg:$0x0] =	wrdreg $0x60  }
0xae: {  	[dreg:$0x2] =	wrdreg s24  }
0xaf: {  	[dreg:$0x3] =	wrdreg $0x0  }
0xb0: {  	[dreg:$0x4] =	wrdreg $0x9  }
0xb1: {  	_ =	task.clear_ibuf [dreg:s6], $0x5FFFF;
	_ =	strace $0x90000049  }
0xb2: {  	s29 =	simm.s32 $0x9;
	_ =	strace $0x8000004B  }
0xb3: {  	_ =	swait.ge [sflag:s29], $0x1  }
0xb4: {  	[sflag:s29] =	ssyncadd.s32 $0xFFFFFFFF  }
0xb5: {  	_ =	strace $0x9000004B  }
0xb6: {  	_ =	sfence  }
0xb7: {  	s30 =	sld [smem:$0x0];
	_ =	sdelay $0x2  }
0xb8: {  	s31 =	sshll.u32 s1, $0xD;
	s1 =	sshrl.u32 s1, $0x2  }
0xb9: {  	s3 =	sand.u32 $0x4000, s31;
	s1 =	sadd.s32 s1, s30  }
0xba: {  	s0 =	sor.u32 s3, s0;
	s1 =	sshll.u32 s1, $0x11  }
0xbb: {  	s0 =	sor.u32 s1, s0  }
0xbc: {  	s0 =	sadd.s32 $0x8F2B, s0  }
0xbd: {  	[sflag:s0] =	ssyncadd.remote.s32 $0x1  }
0xbe: {  	_ =	sfence.sel $0xFFFF  }
0xbf: {  	[dreg:$0x0] =	wrdreg $0xFFFFFFFF;
	(pc) =	sbr.abs _section_cstart, $3  }
0xc0: {  	[dreg:$0x1] =	wrdreg $0xFFFFFFFF  }
0xc1: {  	_ =	task.clear_ibuf [dreg:s6], $0x2FFFF;
	_ =	strace $0x9FFFFFFF  }
0xc2: {  	(tm) =	ssettm $0x7FFFFFFF  }
0xc3: {  	_ =	shalt  }
tec
execute0_lowered:
.L_overlay_start_1:
0x0: {  	(tag) =	ssettag $0x1  }
0x1: {  	s0 =	rddreg [dreg:$0x0]  }
0x2: {  	s2 =	rddreg [dreg:$0x1];
	s3 =	simm.s32 $0x0  }
0x3: {  	s12 =	stileid.u32;
	s1 =	srdreg.scid;
	s14 =	simm.s32 $0xA  }
0x4: {  	s15 =	simm.s32 $0x1DC00;
	s16 =	simm.s32 $0x1DD80;
	s17 =	simm.s32 $0x1DC80  }
0x5: {  	s18 =	simm.s32 $0x1DE00;
	s28 =	simm.s32 $0x7;
	s29 =	simm.s32 $0x3  }
0x6: {  	s30 =	simm.s32 $0x1A800;
	s31 =	simm.s32 $0x5;
	[smem:$0x7FF] =	sst s3  }
0x7: {  	s5 =	smul.u32 $0x2800, s12;
	s1 =	sand.u32 $0x1, s1;
	s4 =	sadd.s32 $0x26400, s0  }
0x8: {  	s7 =	sadd.s32 $0x19C00, s0;
	s8 =	sadd.s32 $0xD400, s0;
	s10 =	smul.u32 $0x50000, s12  }
0x9: {  	s23 =	sshll.u32 s12, $0x6;
	_ =	strace $0x8000004A;
	s6 =	smul.u32 $0x28000, s1  }
0xa: {  	s19 =	ssub.s32 $0x2, s1;
	s11 =	sshll.u32 s1, $0x4;
	s1 =	smul.u32 $0x6400, s1  }
0xb: {  	s9 =	sadd.s32 s5, s0;
	s20 =	sshrl.u32 s19, $0x1;
	s21 =	sshrl.u32 s10, $0x2  }
0xc: {  	s22 =	sor.u32 s12, s11;
	s12 =	smul.u32 $0x640, s12;
	s5 =	sadd.s32 s5, s6  }
0xd: {  	s13 =	sadd.s32 s21, s2;
	s10 =	smul.u32 $0x640, s22;
	s9 =	sadd.s32 $0x4E400, s9  }
0xe: {  	s26 =	sadd.s32 s1, s7;
	s1 =	sadd.s32 s1, s8;
	s21 =	simm.s32 $0x14000  }
0xf: {  	s22 =	simm.s32 $0x1DD00;
	s0 =	sadd.s32 s5, s0;
	s5 =	ssub.s32 s19, s20  }
0x10: {  	[dreg:$0x3] =	wrdreg s9;
	s9 =	sor.u32 $0x1C0A, s23;
	s11 =	sadd.s32 s12, s26  }
0x11: {  	s12 =	sadd.s32 s12, s1;
	s19 =	simm.s32 $0x1;
	s20 =	simm.s32 $0x64  }
0x12: {  	s23 =	simm.s32 $0x1DE80;
	s26 =	simm.s32 $0x4;
	s24 =	sadd.s32 s7, s10  }
.Ltmp0:
0x13: {  	s25 =	sadd.s32 s8, s10;
	[dreg:$0x4] =	wrdreg s24;
	(pc) =	sbr.rel .LBB2_1-.Ltmp0, $4  }
0x14: {  	s1 =	simm.s32 $0x9;
	s0 =	sadd.s32 $0x76400, s0;
	[dreg:$0x5] =	wrdreg s25  }
0x15: {  	s5 =	smax.u32 s5, $0x1;
	s7 =	sshrl.u32 s13, $0x3;
	[dreg:$0x6] =	wrdreg s0  }
0x16: {  	[dreg:$0x7] =	wrdreg s5;
	s24 =	simm.s32 $0x2;
	s25 =	simm.s32 $0x17400  }
0x17: {  	s0 =	simm.s32 $0x8;
	s5 =	simm.s32 $0x0;
	[dreg:$0x8] =	wrdreg s7  }
.LBB2_10:
0x18: {  	_ =	swait.ge [sflag:s26], $0x3200  }
0x19: {  	[sflag:s26] =	ssyncset.done $0x0  }
0x1a: {  	[sflag:s26] =	ssyncadd.s32 $0xFFFFCE00  }
0x1b: {  	[spmem:s2] =	stream.indirect.scatter.add.f32 [tilespmem:s21], [sflag:$0x7], $0x80, s16, s20, $0xb8;
	[tilespmem:$0x1DF00] =	vst v63  }
0x1c: {  	_ =	swait.ge [sflag:s28], $0x3200  }
0x1d: {  	[sflag:s28] =	ssyncset.done $0x0  }
0x1e: {  	[sflag:s28] =	ssyncadd.s32 $0xFFFFCE00  }
0x1f: {  	_ =	swait.ge [sflag:s0], $0x3200  }
0x20: {  	[sflag:s0] =	ssyncset.done $0x0  }
0x21: {  	[sflag:s0] =	ssyncadd.s32 $0xFFFFCE00  }
0x22: {  	_ =	swait.ge [sflag:s1], $0x3200  }
0x23: {  	[sflag:s1] =	ssyncset.done $0x0  }
0x24: {  	[sflag:s1] =	ssyncadd.s32 $0xFFFFCE00  }
0x25: {  	[bflag:$0x0] =	sbarrier.arrive $0xFFFF  }
0x26: {  	s6 =	rddreg [dreg:$0x6]  }
0x27: {  	s7 =	rddreg [dreg:$0x8]  }
0x28: {  	[hbm:s6], [sflag:s13] =	dma.local [spmem:s7], $0x2800  }
0x29: {  	_ =	swait.ge [sflag:s14], $0x2800  }
0x2a: {  	s9 =	smov.u32 s13;
	s5 =	sadd.s32 $0x1, s5;
	s13 =	rddreg [dreg:$0x7]  }
0x2b: {  	p0 =	sne.s32 s5, s13  }
.Ltmp1:
0x2c: {  	_ = 	snop;
	(pc) =	sbr.rel @!p0 .LBB2_11-.Ltmp1, $3  }
0x2d: {  	_ =	sdelay $0x1  }
0x2e: {  	[sflag:s14] =	ssyncset.done $0x0  }
0x2f: {  	[sflag:s14] =	ssyncadd.s32 $0xFFFFD800  }
.LBB2_1:
0x30: {  	s6 =	rddreg [dreg:$0x3]  }
0x31: {  	[spmem:s7], [sflag:s9] =	dma.local [hbm:s6], $0x2800  }
0x32: {  	_ =	swait.ge [sflag:s14], $0x2800  }
0x33: {  	[sflag:s14] =	ssyncset.done $0x0  }
0x34: {  	s13 =	smov.u32 s9;
	s9 =	rddreg [dreg:$0x4];
	[sflag:s14] =	ssyncadd.s32 $0xFFFFD800  }
0x35: {  	[tilespmem:s15], [sflag:$0x1] =	stream.linear.gather [hbm4b:s9+s3], $0x80, $0x38;
	[tilespmem:$0x1DF00] =	vst v63  }
.Ltmp2:
0x36: {  	_ = 	snop;
	(pc) =	sbr.rel .LBB2_2-.Ltmp2, $4  }
0x37: {  	s10 =	rddreg [dreg:$0x5]  }
0x38: {  	[tilespmem:s16], [sflag:$0x1] =	stream.linear.gather [hbm4b:s10+s3], $0x80, $0x38;
	[tilespmem:$0x1DF00] =	vst v63  }
0x39: {  	[bflag:$0x0] =	sbarrier.arrive $0xFFFF  }
0x3a: {  	s8 =	simm.s32 $0x0;
	s7 =	simm.s32 $0xFFFFFFFF  }
.LBB2_9:
0x3b: {  	s6 =	sadd.s32 s8, s11  }
0x3c: {  	s9 =	sadd.s32 $0x20, s6  }
0x3d: {  	[tilespmem:s22], [sflag:$0x3] =	stream.linear.gather [hbm4b:s9+s3], $0x80, $0x38;
	[tilespmem:$0x1DF00] =	vst v63  }
0x3e: {  	s9 =	sadd.s32 s8, s12  }
0x3f: {  	s10 =	sadd.s32 $0x20, s9  }
0x40: {  	[tilespmem:s23], [sflag:$0x3] =	stream.linear.gather [hbm4b:s10+s3], $0x80, $0x38;
	[tilespmem:$0x1DF00] =	vst v63  }
0x41: {  	_ =	swait.ge [sflag:s24], $0x80  }
0x42: {  	[sflag:s24] =	ssyncset.done $0x0  }
0x43: {  	[sflag:s24] =	ssyncadd.s32 $0xFFFFFF80  }
0x44: {  	_ =	swait.ge [sflag:s24], $0x80  }
0x45: {  	[sflag:s24] =	ssyncset.done $0x0  }
0x46: {  	[sflag:s24] =	ssyncadd.s32 $0xFFFFFF80  }
0x47: {  	[tilespmem:s25], [sflag:$0x5] =	stream.indirect.gather [hbm4b:s4+s20], $0x80, s17, s20, $0xb8;
	[tilespmem:$0x1DF00] =	vst v63  }
0x48: {  	_ =	swait.ge [sflag:s26], $0x3200  }
0x49: {  	[sflag:s26] =	ssyncset.done $0x0  }
0x4a: {  	[sflag:s26] =	ssyncadd.s32 $0xFFFFCE00  }
0x4b: {  	[spmem:s2] =	stream.indirect.scatter.add.f32 [tilespmem:s21], [sflag:$0x7], $0x80, s16, s20, $0xb8;
	[tilespmem:$0x1DF00] =	vst v63  }
0x4c: {  	_ =	swait.ge [sflag:s28], $0x3200  }
0x4d: {  	[sflag:s28] =	ssyncset.done $0x0  }
0x4e: {  	s6 =	sadd.s32 $0x30, s6;
	[sflag:s28] =	ssyncadd.s32 $0xFFFFCE00  }
0x4f: {  	[tilespmem:s15], [sflag:$0x1] =	stream.linear.gather [hbm4b:s6+s3], $0x80, $0x38;
	[tilespmem:$0x1DF00] =	vst v63  }
0x50: {  	s10 =	sadd.s32 $0x30, s9  }
0x51: {  	[tilespmem:s16], [sflag:$0x1] =	stream.linear.gather [hbm4b:s10+s3], $0x80, $0x38;
	[tilespmem:$0x1DF00] =	vst v63  }
0x52: {  	_ =	swait.ge [sflag:s29], $0x80  }
0x53: {  	[sflag:s29] =	ssyncset.done $0x0  }
0x54: {  	[sflag:s29] =	ssyncadd.s32 $0xFFFFFF80  }
0x55: {  	_ =	swait.ge [sflag:s29], $0x80  }
0x56: {  	[sflag:s29] =	ssyncset.done $0x0  }
0x57: {  	[sflag:s29] =	ssyncadd.s32 $0xFFFFFF80  }
0x58: {  	[tilespmem:s30], [sflag:$0x6] =	stream.indirect.gather [hbm4b:s4+s20], $0x80, s22, s20, $0xb8;
	[tilespmem:$0x1DF00] =	vst v63  }
0x59: {  	_ =	swait.ge [sflag:s31], $0x3200  }
0x5a: {  	[sflag:s31] =	ssyncset.done $0x0  }
0x5b: {  	s7 =	sadd.s32 $0x3, s7;
	s8 =	sadd.s32 $0x30, s8;
	[sflag:s31] =	ssyncadd.s32 $0xFFFFCE00  }
0x5c: {  	[spmem:s2] =	stream.indirect.scatter.add.f32 [tilespmem:s25], [sflag:$0x8], $0x80, s18, s20, $0xb8;
	[tilespmem:$0x1DF00] =	vst v63  }
.LBB2_2:
0x5d: {  	p0 =	seq.s32 s8, $0x0  }
.Ltmp3:
0x5e: {  	_ = 	snop;
	(pc) =	sbr.rel @p0 .LBB2_5-.Ltmp3, $1  }
0x5f: {  	_ =	sdelay $0x3  }
0x60: {  	p1 =	seq.s32 s8, $0x630  }
.Ltmp4:
0x61: {  	_ = 	snop;
	(pc) =	sbr.rel @p1 .LBB2_6-.Ltmp4, $1  }
0x62: {  	_ =	sdelay $0x3  }
0x63: {  	_ =	swait.ge [sflag:s0], $0x3200  }
0x64: {  	[sflag:s0] =	ssyncset.done $0x0  }
0x65: {  	[sflag:s0] =	ssyncadd.s32 $0xFFFFCE00  }
.LBB2_5:
0x66: {  	s9 =	sadd.s32 s8, s11  }
0x67: {  	s10 =	sadd.s32 s8, s12;
	s9 =	sadd.s32 $0x10, s9  }
0x68: {  	[tilespmem:s17], [sflag:$0x2] =	stream.linear.gather [hbm4b:s9+s3], $0x80, $0x38;
	[tilespmem:$0x1DF00] =	vst v63  }
0x69: {  	s9 =	sadd.s32 $0x10, s10  }
0x6a: {  	[tilespmem:s18], [sflag:$0x2] =	stream.linear.gather [hbm4b:s9+s3], $0x80, $0x38;
	[tilespmem:$0x1DF00] =	vst v63  }
.LBB2_6:
0x6b: {  	_ =	swait.ge [sflag:s19], $0x80  }
0x6c: {  	[sflag:s19] =	ssyncset.done $0x0  }
0x6d: {  	[sflag:s19] =	ssyncadd.s32 $0xFFFFFF80  }
0x6e: {  	_ =	swait.ge [sflag:s19], $0x80  }
0x6f: {  	[sflag:s19] =	ssyncset.done $0x0  }
0x70: {  	p1 =	sgt.u32 s7, $0x63;
	[sflag:s19] =	ssyncadd.s32 $0xFFFFFF80  }
0x71: {  	[tilespmem:s21], [sflag:$0x4] =	stream.indirect.gather [hbm4b:s4+s20], $0x80, s15, s20, $0xb8;
	[tilespmem:$0x1DF00] =	vst v63  }
.Ltmp5:
0x72: {  	s9 =	simm.s32 @!p1 $0x6;
	(pc) =	sbr.rel @p0 .LBB2_9-.Ltmp5, $4  }
0x73: {  	_ =	swait.ge @!p1 [sflag:s9], $0x3200  }
0x74: {  	s10 =	simm.s32 @!p1 $0x1DE80;
	[sflag:s9] =	ssyncset.done @!p1 $0x0  }
0x75: {  	s6 =	simm.s32 @!p1 $0x1A800;
	[sflag:s9] =	ssyncadd.s32 @!p1 $0xFFFFCE00;
	s9 =	simm.s32 @!p1 $0x64  }
0x76: {  	[spmem:s2] =	stream.indirect.scatter.add.f32 @!p1 [tilespmem:s6], [sflag:$0x9], $0x80, s10, s9, $0xb8;
	[tilespmem:$0x1DF00] =	vst v63  }
0x77: {  	p0 =	seq.s32 s8, $0x630  }
.Ltmp6:
0x78: {  	_ = 	snop;
	(pc) =	sbr.rel @p0 .LBB2_10-.Ltmp6, $1  }
0x79: {  	_ =	sdelay $0x3  }
.Ltmp7:
0x7a: {  	(pc) =	sbr.rel .LBB2_9-.Ltmp7, $4  }
0x7b: {  	_ = 	snop  }
0x7c: {  	_ =	swait.ge [sflag:s1], $0x3200  }
0x7d: {  	[sflag:s1] =	ssyncset.done $0x0  }
0x7e: {  	[sflag:s1] =	ssyncadd.s32 $0xFFFFCE00  }
.LBB2_11:
0x7f: {  	_ =	sfence.sel $0x180000  }
0x80: {  	[bflag:$0x0] =	sbarrier.arrive $0xFFFF  }
0x81: {  	_ =	strace $0x9000004A  }
0x82: {  	s0 =	stileid.u32;
	[bflag:$0x2] =	sbarrier.arrive $0xFFFF  }
0x83: {  	p0 =	sne.s32 s0, $0x0;
	s0 =	rddreg [dreg:$0x2]  }
0x84: {  	s0 =	sadd.s32 @!p0 $0x100000, s0  }
0x85: {  	[sflag:s0] =	ssyncadd.tile.s32 @!p0 $0x1;
	_ =	shalt  }
.Lfunc_end2:
_tile_overlayer_lowered:
.L_overlay_start_2:
0x86: {  	(tag) =	ssettag $0x2  }
0x87: {  	s0 =	rddreg [dreg:$0x0];
	s2 =	stileid.u32  }
0x88: {  	s1 =	rddreg [dreg:$0x1];
	p0 =	sne.s32 s2, $0x0  }
0x89: {  	s3 =	rddreg [dreg:$0x2];
	[bflag:$0x3] =	sbarrier.arrive $0xFFFF;
	s2 =	simm.s32 @!p0 $0x1C0A  }
0x8a: {  	[timem:s3], [sflag:s2] =	dma.local @!p0 [hbm:s0], s1  }
0x8b: {  	s0 =	simm.s32 @!p0 $0xA  }
0x8c: {  	_ =	swait.ge @!p0 [sflag:s0], s1  }
0x8d: {  	s1 =	ssub.s32 @!p0 $0x0, s1;
	[sflag:s0] =	ssyncset.done @!p0 $0x0  }
0x8e: {  	[sflag:s0] =	ssyncadd.s32 @!p0 s1  }
0x8f: {  	[bflag:$0x3] =	sbarrier.arrive $0xFFFF  }
0x90: {  	_ =	shalt  }

// kernel: kernel.7.cloned.1.call-start
scs
__scs_entry_jumppad:
0x0: {  	(pc) =	sbr.rel $0x88, $3  }
0x1: {  	(tag) =	ssettag $0x0;
	lr =	simm.s32 $0x1  }
0x2: {  	[smem:$0x3F8E] =	sst lr;
	_ =	strace $0xD0000000  }
0x3: {  	_ = 	snop  }
0x4: {  	_ = 	snop  }
0x5: {  	_ = 	snop  }
0x6: {  	_ = 	snop  }
0x7: {  	_ = 	snop  }
__scs_overlays_trampoline_lowered:
0x8: {  	[smem:$0x3F9D] =	sst s0  }
0x9: {  	[smem:$0x3F9E] =	sst s1  }
0xa: {  	[smem:$0x3F9F] =	sst s2  }
0xb: {  	[smem:$0x3FA0] =	sst s3  }
0xc: {  	[smem:$0x3FA1] =	sst s4  }
0xd: {  	[smem:$0x3FA2] =	sst s5  }
0xe: {  	[smem:$0x3FA3] =	sst s6  }
0xf: {  	[smem:$0x3FA4] =	sst s7  }
0x10: {  	[smem:$0x3FA5] =	sst s8  }
0x11: {  	[smem:$0x3FA6] =	sst s9;
	s0 =	simm.s32 @!p0 $0x0  }
0x12: {  	s1 =	sld [smem:$0x3F8C];
	s0 =	simm.s32 @p0 $0x1  }
0x13: {  	[smem:$0x3FA7] =	sst s0;
	s0 =	simm.s32 @!p1 $0x0  }
0x14: {  	s2 =	sld [smem:$0x3F8B];
	s0 =	simm.s32 @p1 $0x1  }
0x15: {  	[smem:$0x3FA8] =	sst s0;
	s0 =	simm.s32 @!p2 $0x0  }
0x16: {  	s3 =	sld [smem:$0x3FDB];
	s0 =	simm.s32 @p2 $0x1  }
0x17: {  	s4 =	simm.s32 $0x1BF5;
	[smem:$0x3FAA] =	sst s0  }
0x18: {  	s0 =	sld [smem:$0x3F8D];
	_ =	swait.ge [sflag:s4], $0x0  }
0x19: {  	s7 =	sld [smem:$0x3F8E]  }
0x1a: {  	s8 =	sadd.s32 $0xFFFFE003, lr  }
0x1b: {  	s9 =	sadd.s32 $0xFFFFFEF7, lr;
	s5 =	simm.s32 $0xFFFFFFFF;
	p2 =	slt.u32 s8, $0xFFFFF086  }
0x1c: {  	p1 =	slt.u32 s9, $0xF7A;
	s5 =	simm.s32 @!p2 $0x0  }
0x1d: {  	s5 =	simm.s32 @p1 $0x1;
	p0 =	seq.s32 s7, s2  }
0x1e: {  	s7 =	smul.u32 @!p0 $0xF7A, s2;
	p2 =	seq.s32 @!p0 s5, $0x0  }
0x1f: {  	s9 =	smul.u32 $0xF7A, s1;
	s8 =	simm.s32 @!p0 $0x1BF5;
	p2 =	por !p2, p0  }
0x20: {  	[sflag:s8] =	ssyncset.s32 @!p0 $0xFFFFF086;
	s6 =	sadd.s32 @!p0 s3, s7;
	s7 =	simm.s32 @!p0 $0x108  }
0x21: {  	s3 =	sadd.s32 s3, s9;
	s6 =	sadd.s32 @!p0 $0x88, s6;
	s7 =	simm.s32 @p2 $0x1082  }
0x22: {  	[simem:s7], [sflag:s8] =	dma.local @!p0 [hbm:s6], $0xF7A  }
0x23: {  	s9 =	sor.u32 $0xD0000000, s2;
	s6 =	simm.s32 $0x108;
	_ =	swait.ge @!p0 [sflag:s8], $0x0  }
0x24: {  	s3 =	sadd.s32 $0x88, s3;
	s6 =	simm.s32 @!p1 $0x1082;
	[sflag:s4] =	ssyncset.s32 $0xFFFFF086  }
0x25: {  	[simem:s6], [sflag:s4] =	dma.local [hbm:s3], $0xF7A  }
0x26: {  	[smem:$0x3F8E] =	sst s1;
	(tag) =	ssettag s2;
	_ =	strace s9  }
0x27: {  	s1 =	sld [smem:$0x3F9E]  }
0x28: {  	s2 =	sld [smem:$0x3F9F]  }
0x29: {  	s4 =	sld [smem:$0x3FA1]  }
0x2a: {  	p0 =	seq.s32 s5, $0x0;
	s5 =	sld [smem:$0x3FA2]  }
0x2b: {  	s6 =	sld [smem:$0x3FA3]  }
0x2c: {  	s7 =	sld [smem:$0x3FA4]  }
0x2d: {  	s3 =	simm.s32 $0x108;
	s8 =	sld [smem:$0x3FA5]  }
0x2e: {  	s3 =	simm.s32 @!p0 $0x1082;
	s9 =	sld [smem:$0x3FA6]  }
0x2f: {  	lr =	sadd.s32 s0, s3;
	s0 =	sld [smem:$0x3F9D]  }
0x30: {  	s3 =	sld [smem:$0x3FA0]  }
0x31: {  	[smem:$0x3FA9] =	sst s10  }
0x32: {  	s10 =	sld [smem:$0x3FA7];
	_ =	sdelay $0x3  }
0x33: {  	p0 =	seq.s32 s10, $0x1;
	s10 =	sld [smem:$0x3FA9];
	_ =	sdelay $0x3  }
0x34: {  	[smem:$0x3FA9] =	sst s10  }
0x35: {  	s10 =	sld [smem:$0x3FA8];
	_ =	sdelay $0x3  }
0x36: {  	p1 =	seq.s32 s10, $0x1;
	s10 =	sld [smem:$0x3FA9];
	_ =	sdelay $0x3  }
0x37: {  	[smem:$0x3FA9] =	sst s10  }
0x38: {  	s10 =	sld [smem:$0x3FAA]  }
0x39: {  	_ = 	snop;
	(pc) =	sbr.ind lr, $3  }
0x3a: {  	_ = 	snop  }
0x3b: {  	_ = 	snop  }
0x3c: {  	p2 =	seq.s32 s10, $0x1;
	s10 =	sld [smem:$0x3FA9]  }
0x3d: {  	_ =	shalt  }
0x3e: {  	_ =	shalt  }
0x3f: {  	_ =	shalt  }
0x40: {  	_ =	shalt  }
0x41: {  	_ =	shalt  }
0x42: {  	_ =	shalt  }
0x43: {  	_ =	shalt  }
0x44: {  	_ =	shalt  }
0x45: {  	_ =	shalt  }
0x46: {  	_ =	shalt  }
0x47: {  	_ =	shalt  }
0x48: {  	_ =	shalt  }
0x49: {  	_ =	shalt  }
0x4a: {  	_ =	shalt  }
0x4b: {  	_ =	shalt  }
0x4c: {  	_ =	shalt  }
0x4d: {  	_ =	shalt  }
0x4e: {  	_ =	shalt  }
0x4f: {  	_ =	shalt  }
0x50: {  	_ =	shalt  }
0x51: {  	_ =	shalt  }
0x52: {  	_ =	shalt  }
0x53: {  	_ =	shalt  }
0x54: {  	_ =	shalt  }
0x55: {  	_ =	shalt  }
0x56: {  	_ =	shalt  }
0x57: {  	_ =	shalt  }
0x58: {  	_ =	shalt  }
0x59: {  	_ =	shalt  }
0x5a: {  	_ =	shalt  }
0x5b: {  	_ =	shalt  }
0x5c: {  	_ =	shalt  }
0x5d: {  	_ =	shalt  }
0x5e: {  	_ =	shalt  }
0x5f: {  	_ =	shalt  }
0x60: {  	_ =	shalt  }
0x61: {  	_ =	shalt  }
0x62: {  	_ =	shalt  }
0x63: {  	_ =	shalt  }
0x64: {  	_ =	shalt  }
0x65: {  	_ =	shalt  }
0x66: {  	_ =	shalt  }
0x67: {  	_ =	shalt  }
0x68: {  	_ =	shalt  }
0x69: {  	_ =	shalt  }
0x6a: {  	_ =	shalt  }
0x6b: {  	_ =	shalt  }
0x6c: {  	_ =	shalt  }
0x6d: {  	_ =	shalt  }
0x6e: {  	_ =	shalt  }
0x6f: {  	_ =	shalt  }
0x70: {  	_ =	shalt  }
0x71: {  	_ =	shalt  }
0x72: {  	_ =	shalt  }
0x73: {  	_ =	shalt  }
0x74: {  	_ =	shalt  }
0x75: {  	_ =	shalt  }
0x76: {  	_ =	shalt  }
0x77: {  	_ =	shalt  }
0x78: {  	_ =	shalt  }
0x79: {  	_ =	shalt  }
0x7a: {  	_ =	shalt  }
0x7b: {  	_ =	shalt  }
0x7c: {  	_ =	shalt  }
0x7d: {  	_ =	shalt  }
0x7e: {  	_ =	shalt  }
0x7f: {  	_ =	shalt  }
0x80: {  	_ =	shalt  }
0x81: {  	_ =	shalt  }
0x82: {  	_ =	shalt  }
0x83: {  	_ =	shalt  }
0x84: {  	_ =	shalt  }
0x85: {  	_ =	shalt  }
0x86: {  	_ =	shalt  }
0x87: {  	_ =	shalt  }
.Lfunc_end0:
.L_simem_size_0:
called_computation_lowered:
.L_overlay_start_0:
0x88: {  	s2 =	sld [smem:$0x3FD9]  }
0x89: {  	s3 =	sld [smem:$0x3FFE];
	_ =	sdelay $0x1  }
0x8a: {  	s1 =	srdreg.scid  }
0x8b: {  	s0 =	sand.u32 $0x1, s1  }
0x8c: {  	s16 =	sshll.u32 s0, $0xA;
	s2 =	sadd.s32 s3, s2  }
0x8d: {  	s2 =	sadd.s32 s2, s16  }
0x8e: {  	[smem:$0x3FB5] =	sst s2  }
0x8f: {  	_ = 	snop  }
0x90: {  	(tm) =	ssettm $0x1  }
0x91: {  	s17 =	sld [smem:$0x3FFB];
	_ =	sdelay $0x3  }
0x92: {  	_ =	strace s17  }
0x93: {  	s2 =	sld [smem:$0x3FFC];
	_ =	sdelay $0x3  }
0x94: {  	_ =	strace s2  }
0x95: {  	s2 =	sld [smem:$0x3FFD];
	_ =	sdelay $0x3  }
0x96: {  	_ =	strace s2  }
0x97: {  	_ =	strace $0x8FFFFFFF  }
0x98: {  	s18 =	sld [smem:$0x3FDB];
	_ =	sdelay $0x1  }
0x99: {  	s19 =	simm.s32 $_scs_section_size  }
0x9a: {  	s4 =	simm.s32 $_size__tile_overlayer_lowered;
	s5 =	simm.s32 $_tile_overlayer_lowered  }
0x9b: {  	s22 =	simm.s32 $0x1BFF;
	s21 =	sshll.u32 s5, $0x1;
	s2 =	sadd.s32 s19, s18  }
0x9c: {  	s6 =	simm.s32 $0x0;
	s20 =	sshll.u32 s4, $0x1;
	s4 =	sadd.s32 s21, s2  }
0x9d: {  	[timem:s6], [sflag:s22] =	dma.local [hbm:s4], s20  }
0x9e: {  	_ =	swait.ge [sflag:s22], s20  }
0x9f: {  	s3 =	ssub.s32 $0x0, s20;
	[sflag:s22] =	ssyncset.done $0x0  }
0xa0: {  	[sflag:s22] =	ssyncadd.s32 s3;
	_ =	sdelay $0x1  }
0xa1: {  	s23 =	simm.s32 $0x1B8B  }
0xa2: {  	_ =	swait.ge [sflag:s23], $0x1  }
0xa3: {  	[sflag:s23] =	ssyncset.done $0x0  }
0xa4: {  	s25 =	simm.s32 $0x1B8E;
	s24 =	sld [smem:$0x3FFE];
	[sflag:s23] =	ssyncadd.s32 $0xFFFFFFFF  }
0xa5: {  	s26 =	simm.s32 $execute0_lowered;
	[smem:$0x3FD2] =	sst s25  }
0xa6: {  	s4 =	sshll.u32 s26, $0x1;
	_ =	strace $0x80000046;
	[dreg:$0x1] =	wrdreg $0xFFFFFFFF  }
0xa7: {  	s28 =	simm.s32 $_size_execute0_lowered;
	s2 =	sadd.s32 s2, s4;
	[dreg:$0x0] =	wrdreg $0x0  }
0xa8: {  	s4 =	sshll.u32 s28, $0x1;
	[dreg:$0x2] =	wrdreg s2  }
0xa9: {  	[dreg:$0x3] =	wrdreg s4  }
0xaa: {  	[dreg:$0x4] =	wrdreg $0xC0  }
0xab: {  	_ =	task [dreg:s6], $0x5FFFF  }
0xac: {  	[dreg:$0x1] =	wrdreg $0xFFFFFFFF  }
0xad: {  	[dreg:$0x0] =	wrdreg $0x60  }
0xae: {  	[dreg:$0x2] =	wrdreg s24  }
0xaf: {  	[dreg:$0x3] =	wrdreg $0x32800  }
0xb0: {  	[dreg:$0x4] =	wrdreg $0x9  }
0xb1: {  	_ =	task.clear_ibuf [dreg:s6], $0x5FFFF;
	_ =	strace $0x90000046  }
0xb2: {  	s29 =	simm.s32 $0x9;
	_ =	strace $0x80000048  }
0xb3: {  	_ =	swait.ge [sflag:s29], $0x1  }
0xb4: {  	[sflag:s29] =	ssyncadd.s32 $0xFFFFFFFF  }
0xb5: {  	_ =	strace $0x90000048  }
0xb6: {  	_ =	sfence  }
0xb7: {  	s30 =	sld [smem:$0x0];
	_ =	sdelay $0x2  }
0xb8: {  	s31 =	sshll.u32 s1, $0xD;
	s1 =	sshrl.u32 s1, $0x2  }
0xb9: {  	s3 =	sand.u32 $0x4000, s31;
	s1 =	sadd.s32 s1, s30  }
0xba: {  	s0 =	sor.u32 s3, s0;
	s1 =	sshll.u32 s1, $0x11  }
0xbb: {  	s0 =	sor.u32 s1, s0  }
0xbc: {  	s0 =	sadd.s32 $0x8F2B, s0  }
0xbd: {  	[sflag:s0] =	ssyncadd.remote.s32 $0x1  }
0xbe: {  	_ =	sfence.sel $0xFFFF  }
0xbf: {  	[dreg:$0x0] =	wrdreg $0xFFFFFFFF;
	(pc) =	sbr.abs _section_cstart, $3  }
0xc0: {  	[dreg:$0x1] =	wrdreg $0xFFFFFFFF  }
0xc1: {  	_ =	task.clear_ibuf [dreg:s6], $0x2FFFF;
	_ =	strace $0x9FFFFFFF  }
0xc2: {  	(tm) =	ssettm $0x7FFFFFFF  }
0xc3: {  	_ =	shalt  }
tec
execute0_lowered:
.L_overlay_start_1:
0x0: {  	(tag) =	ssettag $0x1  }
0x1: {  	s4 =	rddreg [dreg:$0x0]  }
0x2: {  	s0 =	srdreg.scid;
	s5 =	rddreg [dreg:$0x1]  }
0x3: {  	s2 =	simm.s32 $0x0;
	s12 =	simm.s32 $0x1;
	s13 =	simm.s32 $0x800  }
0x4: {  	s14 =	simm.s32 $0x80;
	s15 =	simm.s32 $0x400;
	s16 =	simm.s32 $0x100  }
0x5: {  	s17 =	simm.s32 $0x3000;
	s3 =	sand.u32 $0x1, s0;
	s0 =	stileid.u32  }
0x6: {  	[smem:$0x7FF] =	sst s2;
	s1 =	sshll.u32 s3, $0x4;
	s7 =	smul.u32 $0x500, s0  }
0x7: {  	s8 =	sshll.u32 s3, $0x7;
	s25 =	sshrl.u32 s0, $0x3;
	s3 =	ssub.s32 $0x2, s3  }
0x8: {  	s28 =	smul.u32 $0x5000, s0;
	s29 =	sshll.u32 s0, $0x7;
	s6 =	sor.u32 s0, s1  }
0x9: {  	s1 =	rddreg [dreg:$0x2];
	_ =	strace $0x80000047;
	s6 =	smul.u32 $0x2710, s6  }
0xa: {  	s26 =	sshrl.u32 s3, $0x1;
	s24 =	sor.u32 s8, s7;
	s7 =	smul.u32 $0x50000, s25  }
0xb: {  	s9 =	ssub.s32 s3, s26;
	s3 =	sand.u32 $0x380, s29;
	s6 =	sshrl.u32 s6, $0x3  }
0xc: {  	s30 =	sshrl.u32 s7, $0x2;
	s11 =	sadd.s32 s6, s4;
	s6 =	sshrl.u32 s24, $0x3  }
0xd: {  	s31 =	sshrl.u32 s28, $0x2;
	s6 =	sadd.s32 s6, s4;
	s4 =	sadd.s32 s30, s5  }
0xe: {  	s7 =	sadd.s32 $0x2C00, s11;
	s8 =	sadd.s32 $0x2CFA, s11;
	s10 =	sadd.s32 $0x2EEE, s11  }
0xf: {  	s3 =	sadd.s32 s3, s4;
	s4 =	sadd.s32 s31, s5;
	s5 =	sadd.s32 $0xCA00, s6  }
0x10: {  	v0 =	vimm.f32 $0.0e+00;
	v1 =	vimm.f32 $1.000000000e+00;
	s6 =	smax.u32 s9, $0x1;
	s9 =	sadd.s32 $0x2DF4, s11;
	s11 =	sadd.s32 $0x2FE8, s11  }
.LBB2_1:
0x11: {  	s18 =	simm.s32 $0x40;
	s19 =	simm.s32 $0x0  }
.LBB2_2:
0x12: {  	p0 =	sne.s32 s18, $0x9FC0;
	[tilespmem:s19+$0x800] =	vst v0;
	s19 =	smov.u32 s18;
	s18 =	sadd.s32 $0x40, s18  }
.Ltmp0:
0x13: {  	(pc) =	sbr.rel @p0 .LBB2_2-.Ltmp0, $2  }
0x14: {  	_ =	sdelay $0x2  }
0x15: {  	s19 =	sshra.s32 s19, $0x2  }
0x16: {  	[tilespmem:s19+$0x800] =	vst v0;
	s18 =	simm.s32 $0x0  }
0x17: {  	[tilespmem:s18], [sflag:$0x1] =	stream.linear.gather [hbm4b:s7+s18], $0x7D0, $0x38;
	[tilespmem:$0x5A80] =	vst v63  }
0x18: {  	_ =	swait.ge [sflag:s12], $0x7D0  }
0x19: {  	[sflag:s12] =	ssyncset.done $0x0  }
0x1a: {  	s19 =	simm.s32 $0x0;
	s18 =	simm.s32 $0x40;
	[sflag:s12] =	ssyncadd.s32 $0xFFFFF830  }
.LBB2_4:
0x1b: {  	p0 =	sne.s32 s18, $0x1F00;
	v2 =	vld [tilespmem:s19+$0x0];
	_ =	sdelay $0x3  }
.Ltmp1:
0x1c: {  	(pc) =	sbr.rel @p0 .LBB2_4-.Ltmp1, $2  }
0x1d: {  	_ =	sdelay $0x2  }
0x1e: {  	s19 =	sshra.s32 s18, $0x2;
	s18 =	sadd.s32 $0x40, s18;
	[tilespmem:v2+s13+$0x0] =	vst.idx.add.f32.msk $0xffff, v1  }
0x1f: {  	v2 =	vld [tilespmem:s19+$0x0];
	_ =	sdelay $0x7  }
0x20: {  	s18 =	simm.s32 $0x0;
	[tilespmem:v2+s13+$0x0] =	vst.idx.add.f32.msk $0xffff, v1  }
0x21: {  	[tilespmem:s18], [sflag:$0x1] =	stream.linear.gather [hbm4b:s8+s18], $0x7D0, $0x38;
	[tilespmem:$0x5A80] =	vst v63  }
0x22: {  	_ =	swait.ge [sflag:s12], $0x7D0  }
0x23: {  	[sflag:s12] =	ssyncset.done $0x0  }
0x24: {  	s19 =	simm.s32 $0x0;
	s18 =	simm.s32 $0x40;
	[sflag:s12] =	ssyncadd.s32 $0xFFFFF830  }
.LBB2_6:
0x25: {  	p0 =	sne.s32 s18, $0x1F00;
	v2 =	vld [tilespmem:s19+$0x0];
	_ =	sdelay $0x3  }
.Ltmp2:
0x26: {  	(pc) =	sbr.rel @p0 .LBB2_6-.Ltmp2, $2  }
0x27: {  	_ =	sdelay $0x2  }
0x28: {  	s19 =	sshra.s32 s18, $0x2;
	s18 =	sadd.s32 $0x40, s18;
	[tilespmem:v2+s13+$0x0] =	vst.idx.add.f32.msk $0xffff, v1  }
0x29: {  	v2 =	vld [tilespmem:s19+$0x0];
	_ =	sdelay $0x7  }
0x2a: {  	s18 =	simm.s32 $0x0;
	[tilespmem:v2+s13+$0x0] =	vst.idx.add.f32.msk $0xffff, v1  }
0x2b: {  	[tilespmem:s18], [sflag:$0x1] =	stream.linear.gather [hbm4b:s9+s18], $0x7D0, $0x38;
	[tilespmem:$0x5A80] =	vst v63  }
0x2c: {  	_ =	swait.ge [sflag:s12], $0x7D0  }
0x2d: {  	[sflag:s12] =	ssyncset.done $0x0  }
0x2e: {  	s19 =	simm.s32 $0x0;
	s18 =	simm.s32 $0x40;
	[sflag:s12] =	ssyncadd.s32 $0xFFFFF830  }
.LBB2_8:
0x2f: {  	p0 =	sne.s32 s18, $0x1F00;
	v2 =	vld [tilespmem:s19+$0x0];
	_ =	sdelay $0x3  }
.Ltmp3:
0x30: {  	(pc) =	sbr.rel @p0 .LBB2_8-.Ltmp3, $2  }
0x31: {  	_ =	sdelay $0x2  }
0x32: {  	s19 =	sshra.s32 s18, $0x2;
	s18 =	sadd.s32 $0x40, s18;
	[tilespmem:v2+s13+$0x0] =	vst.idx.add.f32.msk $0xffff, v1  }
0x33: {  	v2 =	vld [tilespmem:s19+$0x0];
	_ =	sdelay $0x7  }
0x34: {  	s18 =	simm.s32 $0x0;
	[tilespmem:v2+s13+$0x0] =	vst.idx.add.f32.msk $0xffff, v1  }
0x35: {  	[tilespmem:s18], [sflag:$0x1] =	stream.linear.gather [hbm4b:s10+s18], $0x7D0, $0x38;
	[tilespmem:$0x5A80] =	vst v63  }
0x36: {  	_ =	swait.ge [sflag:s12], $0x7D0  }
0x37: {  	[sflag:s12] =	ssyncset.done $0x0  }
0x38: {  	s19 =	simm.s32 $0x0;
	s18 =	simm.s32 $0x40;
	[sflag:s12] =	ssyncadd.s32 $0xFFFFF830  }
.LBB2_10:
0x39: {  	p0 =	sne.s32 s18, $0x1F00;
	v2 =	vld [tilespmem:s19+$0x0];
	_ =	sdelay $0x3  }
.Ltmp4:
0x3a: {  	(pc) =	sbr.rel @p0 .LBB2_10-.Ltmp4, $2  }
0x3b: {  	_ =	sdelay $0x2  }
0x3c: {  	s19 =	sshra.s32 s18, $0x2;
	s18 =	sadd.s32 $0x40, s18;
	[tilespmem:v2+s13+$0x0] =	vst.idx.add.f32.msk $0xffff, v1  }
0x3d: {  	v2 =	vld [tilespmem:s19+$0x0];
	_ =	sdelay $0x7  }
0x3e: {  	s18 =	simm.s32 $0x0;
	[tilespmem:v2+s13+$0x0] =	vst.idx.add.f32.msk $0xffff, v1  }
0x3f: {  	[tilespmem:s18], [sflag:$0x1] =	stream.linear.gather [hbm4b:s11+s18], $0x7D0, $0x38;
	[tilespmem:$0x5A80] =	vst v63  }
0x40: {  	_ =	swait.ge [sflag:s12], $0x7D0  }
0x41: {  	[sflag:s12] =	ssyncset.done $0x0  }
0x42: {  	s19 =	simm.s32 $0x0;
	s18 =	simm.s32 $0x40;
	[sflag:s12] =	ssyncadd.s32 $0xFFFFF830  }
.LBB2_12:
0x43: {  	p0 =	sne.s32 s18, $0x1F00;
	v2 =	vld [tilespmem:s19+$0x0];
	_ =	sdelay $0x3  }
.Ltmp5:
0x44: {  	(pc) =	sbr.rel @p0 .LBB2_12-.Ltmp5, $2  }
0x45: {  	_ =	sdelay $0x2  }
0x46: {  	s19 =	sshra.s32 s18, $0x2;
	s18 =	sadd.s32 $0x40, s18;
	[tilespmem:v2+s13+$0x0] =	vst.idx.add.f32.msk $0xffff, v1  }
0x47: {  	v2 =	vld [tilespmem:s19+$0x0];
	_ =	sdelay $0x7  }
0x48: {  	[tilespmem:v2+s13+$0x0] =	vst.idx.add.f32.msk $0xffff, v1  }
0x49: {  	[spmem:s3] =	stream.strided.scatter [tilespmem:s13], [sflag:$0x1], $0x2800, s15, s14, $0x38;
	[tilespmem:$0x5A80] =	vst v63  }
0x4a: {  	_ =	swait.ge [sflag:s12], $0x2800  }
0x4b: {  	[sflag:s12] =	ssyncset.done $0x0  }
0x4c: {  	[sflag:s12] =	ssyncadd.s32 $0xFFFFD800  }
0x4d: {  	[bflag:$0x0] =	sbarrier.arrive $0xFFFF  }
0x4e: {  	[tilespmem:$0x3000] =	vst v0  }
0x4f: {  	[tilespmem:$0x3010] =	vst v0  }
0x50: {  	[tilespmem:$0x3020] =	vst v0  }
0x51: {  	[tilespmem:$0x3030] =	vst v0  }
0x52: {  	[tilespmem:$0x3040] =	vst v0  }
0x53: {  	[tilespmem:$0x3050] =	vst v0  }
0x54: {  	[tilespmem:$0x3060] =	vst v0  }
0x55: {  	[tilespmem:$0x3070] =	vst v0  }
0x56: {  	[tilespmem:$0x3080] =	vst v0  }
0x57: {  	[tilespmem:$0x3090] =	vst v0  }
0x58: {  	[tilespmem:$0x30A0] =	vst v0  }
0x59: {  	[tilespmem:$0x30B0] =	vst v0  }
0x5a: {  	[tilespmem:$0x30C0] =	vst v0  }
0x5b: {  	[tilespmem:$0x30D0] =	vst v0  }
0x5c: {  	[tilespmem:$0x30E0] =	vst v0  }
0x5d: {  	[tilespmem:$0x30F0] =	vst v0  }
0x5e: {  	[tilespmem:$0x3100] =	vst v0  }
0x5f: {  	[tilespmem:$0x3110] =	vst v0  }
0x60: {  	[tilespmem:$0x3120] =	vst v0  }
0x61: {  	[tilespmem:$0x3130] =	vst v0  }
0x62: {  	[tilespmem:$0x3140] =	vst v0  }
0x63: {  	[tilespmem:$0x3150] =	vst v0  }
0x64: {  	[tilespmem:$0x3160] =	vst v0  }
0x65: {  	[tilespmem:$0x3170] =	vst v0  }
0x66: {  	[tilespmem:$0x3180] =	vst v0  }
0x67: {  	[tilespmem:$0x3190] =	vst v0  }
0x68: {  	[tilespmem:$0x31A0] =	vst v0  }
0x69: {  	[tilespmem:$0x31B0] =	vst v0  }
0x6a: {  	[tilespmem:$0x31C0] =	vst v0  }
0x6b: {  	[tilespmem:$0x31D0] =	vst v0  }
0x6c: {  	[tilespmem:$0x31E0] =	vst v0  }
0x6d: {  	[tilespmem:$0x31F0] =	vst v0  }
0x6e: {  	[tilespmem:$0x3200] =	vst v0  }
0x6f: {  	[tilespmem:$0x3210] =	vst v0  }
0x70: {  	[tilespmem:$0x3220] =	vst v0  }
0x71: {  	[tilespmem:$0x3230] =	vst v0  }
0x72: {  	[tilespmem:$0x3240] =	vst v0  }
0x73: {  	[tilespmem:$0x3250] =	vst v0  }
0x74: {  	[tilespmem:$0x3260] =	vst v0  }
0x75: {  	s18 =	simm.s32 $0x0;
	[tilespmem:$0x3270] =	vst v0  }
.LBB2_14:
0x76: {  	s19 =	sshrl.u32 s18, $0x3  }
0x77: {  	s19 =	smul.u32 $0x50000, s19;
	_ =	sdelay $0x1  }
0x78: {  	s20 =	sshll.u32 s18, $0x7;
	s19 =	sshra.s32 s19, $0x2  }
0x79: {  	s20 =	sand.u32 $0x380, s20;
	s19 =	sadd.s32 s19, s4  }
0x7a: {  	s19 =	sadd.s32 s20, s19  }
0x7b: {  	[tilespmem:s13], [sflag:$0x1] =	stream.strided.gather [spmem:s19], $0x280, s15, s14, $0x38;
	[tilespmem:$0x5A80] =	vst v63  }
0x7c: {  	_ =	swait.ge [sflag:s12], $0x280  }
0x7d: {  	[sflag:s12] =	ssyncset.done $0x0  }
0x7e: {  	s19 =	simm.s32 $0x0;
	[sflag:s12] =	ssyncadd.s32 $0xFFFFFD80  }
0x7f: {  	s20 =	simm.s32 $0x40;
	v2 =	vld [tilespmem:s19+$0x800]  }
.LBB2_15:
0x80: {  	p0 =	sne.s32 s20, $0x9C0;
	v3 =	vld [tilespmem:s19+$0x3000];
	_ =	sdelay $0x2  }
.Ltmp6:
0x81: {  	(pc) =	sbr.rel @p0 .LBB2_15-.Ltmp6, $4  }
0x82: {  	_ = 	snop  }
0x83: {  	v3 =	vadd.f32 v2, v3  }
0x84: {  	s21 =	sshra.s32 s20, $0x2  }
0x85: {  	s20 =	sadd.s32 $0x40, s20;
	v2 =	vld [tilespmem:s21+$0x800];
	[tilespmem:s19+$0x3000] =	vst v3;
	s19 =	smov.u32 s21  }
0x86: {  	v3 =	vld [tilespmem:s19+$0x3000]  }
0x87: {  	s18 =	sadd.s32 $0x1, s18  }
0x88: {  	p0 =	sne.s32 s18, $0x10  }
.Ltmp7:
0x89: {  	_ = 	snop;
	(pc) =	sbr.rel @p0 .LBB2_14-.Ltmp7, $3  }
0x8a: {  	_ = 	snop  }
0x8b: {  	v2 =	vadd.f32 v2, v3;
	_ =	sdelay $0x1  }
0x8c: {  	[tilespmem:s19+$0x3000] =	vst v2  }
0x8d: {  	s2 =	sadd.s32 $0x1, s2  }
0x8e: {  	p0 =	sne.s32 s2, s6  }
.Ltmp8:
0x8f: {  	_ = 	snop;
	(pc) =	sbr.rel @p0 .LBB2_1-.Ltmp8, $4  }
0x90: {  	[hbm4b:s5+s14] =	stream.strided.scatter [tilespmem:s17], [sflag:$0x1], $0x280, s16, s14, $0x38;
	[tilespmem:$0x5A80] =	vst v63  }
0x91: {  	_ =	swait.ge [sflag:s12], $0x280  }
0x92: {  	[sflag:s12] =	ssyncset.done $0x0  }
0x93: {  	[sflag:s12] =	ssyncadd.s32 $0xFFFFFD80  }
0x94: {  	_ =	sfence.sel $0x180000  }
0x95: {  	[bflag:$0x0] =	sbarrier.arrive $0xFFFF  }
0x96: {  	p0 =	sne.s32 s0, $0x0;
	_ =	strace $0x90000047  }
0x97: {  	s0 =	sadd.s32 @!p0 $0x100000, s1;
	[bflag:$0x2] =	sbarrier.arrive $0xFFFF  }
0x98: {  	[sflag:s0] =	ssyncadd.tile.s32 @!p0 $0x1;
	_ =	shalt  }
.Lfunc_end2:
_tile_overlayer_lowered:
.L_overlay_start_2:
0x99: {  	(tag) =	ssettag $0x2  }
0x9a: {  	s0 =	rddreg [dreg:$0x0];
	s2 =	stileid.u32  }
0x9b: {  	s1 =	rddreg [dreg:$0x1];
	p0 =	sne.s32 s2, $0x0  }
0x9c: {  	s3 =	rddreg [dreg:$0x2];
	[bflag:$0x3] =	sbarrier.arrive $0xFFFF;
	s2 =	simm.s32 @!p0 $0x1C01  }
0x9d: {  	[timem:s3], [sflag:s2] =	dma.local @!p0 [hbm:s0], s1  }
0x9e: {  	s0 =	simm.s32 @!p0 $0x1  }
0x9f: {  	_ =	swait.ge @!p0 [sflag:s0], s1  }
0xa0: {  	s1 =	ssub.s32 @!p0 $0x0, s1;
	[sflag:s0] =	ssyncset.done @!p0 $0x0  }
0xa1: {  	[sflag:s0] =	ssyncadd.s32 @!p0 s1  }
0xa2: {  	[bflag:$0x3] =	sbarrier.arrive $0xFFFF  }
0xa3: {  	_ =	shalt  }

</sc_bundles>
